<compile_context>
chip_gen: v7x
topology: tpu7x:2x2x1
jax: 0.10.2.dev20260603
libtpu: 0.0.44.dev20260713+nightly
codegen_flags: <defaults>
</compile_context>

<pallas_src>
import functools

import jax
import jax.numpy as jnp
from jax import lax
from jax.experimental import pallas as pl
from jax.experimental.pallas import tpu as pltpu
from jax.experimental.pallas import tpu_sc as plsc

_N = 16384
_C = 1000
_CP = 1024
_GAMMA0 = 2.0
_ALPHA_R = 0.1
_TAU = 0.2
_LAMBDA_MAX = 1.0
_TOTAL_EPOCHS = 200
_EMA = 0.9
_EPS = 1e-6
_HEAD = 100

_ROWS_BLK = 1024
_GRID = _N // _ROWS_BLK

_NSUB = 16
_RPT = _N // _NSUB
_CPT = _CP // _NSUB


def _row_stats(x, t):
    m = jnp.max(x, axis=1, keepdims=True)
    e = jnp.exp(x - m)
    s = jnp.sum(e, axis=1, keepdims=True)
    xs = jnp.sum(e * x, axis=1, keepdims=True)
    col = lax.broadcasted_iota(jnp.int32, x.shape, 1)
    h = jnp.where(col == t, 1.0, 0.0)
    et = jnp.sum(h * e, axis=1, keepdims=True)
    pt = et / s
    lce = -jnp.log(pt + _EPS)
    ent = m + jnp.log(s) - xs / s
    return lce, ent, jnp.log(1.0 - pt), h


def _tc_stats_body(xa_ref, xb_ref, t_ref, lce_ref, l1p_ref,
                   cnt_ref, lsm_ref, esm_ref):
    i = pl.program_id(0)
    la, ea, pa, ha = _row_stats(xa_ref[...], t_ref[pl.ds(0, _ROWS_BLK), :])
    lb, eb, pb, hb = _row_stats(xb_ref[...], t_ref[pl.ds(_ROWS_BLK, _ROWS_BLK), :])
    lce_ref[...] = jnp.concatenate([la, lb], axis=0).reshape(2 * _ROWS_BLK)
    l1p_ref[...] = jnp.concatenate([pa, pb], axis=0).reshape(2 * _ROWS_BLK)
    ones = jnp.ones_like(la)
    va = jnp.concatenate([ones, la, ea], axis=1)
    vb = jnp.concatenate([ones, lb, eb], axis=1)
    dims = (((0,), (0,)), ((), ()))
    seg = (lax.dot_general(va, ha, dims, preferred_element_type=jnp.float32)
           + lax.dot_general(vb, hb, dims, preferred_element_type=jnp.float32))

    @pl.when(i == 0)
    def _():
        cnt_ref[...] = jnp.zeros((_C,), jnp.float32)
        lsm_ref[...] = jnp.zeros((_C,), jnp.float32)
        esm_ref[...] = jnp.zeros((_C,), jnp.float32)

    cnt_ref[...] = cnt_ref[...] + seg[0, :]
    lsm_ref[...] = lsm_ref[...] + seg[1, :]
    esm_ref[...] = esm_ref[...] + seg[2, :]


def _tc_stats(logits, targets2d):
    blk2 = 2 * _ROWS_BLK
    return pl.pallas_call(
        _tc_stats_body,
        grid=(_N // blk2,),
        in_specs=[
            pl.BlockSpec((_ROWS_BLK, _C), lambda i: (2 * i, 0)),
            pl.BlockSpec((_ROWS_BLK, _C), lambda i: (2 * i + 1, 0)),
            pl.BlockSpec((blk2, 1), lambda i: (i, 0)),
        ],
        out_specs=[
            pl.BlockSpec((blk2,), lambda i: (i,)),
            pl.BlockSpec((blk2,), lambda i: (i,)),
            pl.BlockSpec((_C,), lambda i: (0,)),
            pl.BlockSpec((_C,), lambda i: (0,)),
            pl.BlockSpec((_C,), lambda i: (0,)),
        ],
        out_shape=[
            jax.ShapeDtypeStruct((_N,), jnp.float32),
            jax.ShapeDtypeStruct((_N,), jnp.float32),
            jax.ShapeDtypeStruct((_C,), jnp.float32),
            jax.ShapeDtypeStruct((_C,), jnp.float32),
            jax.ShapeDtypeStruct((_C,), jnp.float32),
        ],
    )(logits, logits, targets2d)


def _sc_body(t_hbm, lce_hbm, l1p_hbm, cnts_hbm, lsms_hbm, esms_hbm,
             lavg_hbm, eavg_hbm, wrl_hbm,
             lam_hbm, out_hbm,
             tgt_v, lce_v, l1p_v,
             cnt_v, lsm_v, esm_v,
             oldl_v, olde_v, resl_v, resi_v,
             lavg_v, invh_v, wrl_v, lam_v, psum_v, sums_v, rsums_v, out_v,
             dma_sem,
             statl_sh, stati_sh, sum_sh, rsum_sh):
    cid = lax.axis_index("c")
    sid = lax.axis_index("s")
    base = sid * _RPT

    stage = [
        pltpu.async_copy(t_hbm.at[pl.ds(base, _RPT)], tgt_v, dma_sem),
        pltpu.async_copy(lce_hbm.at[pl.ds(base, _RPT)], lce_v, dma_sem),
        pltpu.async_copy(l1p_hbm.at[pl.ds(base, _RPT)], l1p_v, dma_sem),
        pltpu.async_copy(wrl_hbm, wrl_v.at[pl.ds(0, _C)], dma_sem),
        pltpu.async_copy(lam_hbm, lam_v, dma_sem),
    ]

    zero16 = jnp.zeros((16,), jnp.float32)
    nk = _CPT // 16

    cbase = sid * _CPT
    for k in range(nk):
        sl = pl.ds(k * 16, 16)
        cnt_v[sl] = zero16
        lsm_v[sl] = zero16
        esm_v[sl] = zero16
        oldl_v[sl] = zero16
        olde_v[sl] = zero16

    @pl.when(sid < _NSUB - 1)
    def _():
        pltpu.sync_copy(cnts_hbm.at[pl.ds(cbase, _CPT)], cnt_v)
        pltpu.sync_copy(lsms_hbm.at[pl.ds(cbase, _CPT)], lsm_v)
        pltpu.sync_copy(esms_hbm.at[pl.ds(cbase, _CPT)], esm_v)
        pltpu.sync_copy(lavg_hbm.at[pl.ds(cbase, _CPT)], oldl_v)
        pltpu.sync_copy(eavg_hbm.at[pl.ds(cbase, _CPT)], olde_v)

    @pl.when(sid == _NSUB - 1)
    def _():
        tail = _C - (_NSUB - 1) * _CPT
        pltpu.sync_copy(cnts_hbm.at[pl.ds(cbase, tail)], cnt_v.at[pl.ds(0, tail)])
        pltpu.sync_copy(lsms_hbm.at[pl.ds(cbase, tail)], lsm_v.at[pl.ds(0, tail)])
        pltpu.sync_copy(esms_hbm.at[pl.ds(cbase, tail)], esm_v.at[pl.ds(0, tail)])
        pltpu.sync_copy(lavg_hbm.at[pl.ds(cbase, tail)], oldl_v.at[pl.ds(0, tail)])
        pltpu.sync_copy(eavg_hbm.at[pl.ds(cbase, tail)], olde_v.at[pl.ds(0, tail)])

    part = zero16
    for k in range(nk):
        sl = pl.ds(k * 16, 16)
        cnt = cnt_v[sl]
        lsum = lsm_v[sl]
        esum = esm_v[sl]
        old_l = oldl_v[sl]
        old_e = olde_v[sl]
        present = cnt > 0.0
        denom = jnp.maximum(cnt, 1.0)
        new_l = jnp.where(present, _EMA * old_l + (1.0 - _EMA) * (lsum / denom), old_l)
        new_e = jnp.where(present, _EMA * old_e + (1.0 - _EMA) * (esum / denom), old_e)
        invh = 1.0 / (new_e + _EPS)
        cids = (cbase + k * 16) + lax.iota(jnp.int32, 16)
        invh = jnp.where(cids < _C, invh, 0.0)
        resl_v[sl] = new_l
        resi_v[sl] = invh
        part = part + invh

    psum_v[...] = jnp.broadcast_to(jnp.sum(part), (16,))
    pltpu.sync_copy(resl_v, statl_sh.at[pl.ds(cbase, _CPT)])
    pltpu.sync_copy(resi_v, stati_sh.at[pl.ds(cbase, _CPT)])
    pltpu.sync_copy(psum_v, sum_sh.at[pl.ds(sid * 16, 16)])
    plsc.subcore_barrier()

    stage3 = [
        pltpu.async_copy(statl_sh, lavg_v, dma_sem),
        pltpu.async_copy(stati_sh, invh_v, dma_sem),
        pltpu.async_copy(sum_sh, sums_v, dma_sem),
    ]
    for c in stage:
        c.wait()
    for c in stage3:
        c.wait()
    tot = zero16
    for src in range(_NSUB):
        tot = tot + sums_v[pl.ds(src * 16, 16)]
    inv_tot = 1.0 / tot
    lamv = lam_v[...]

    def _row_body(i, acc):
        sl = pl.ds(i * 16, 16)
        t16 = tgt_v[sl]
        lce16 = lce_v[sl]
        l1p16 = l1p_v[sl]
        avg_c = plsc.load_gather(lavg_v, [t16])
        invh_t = plsc.load_gather(invh_v, [t16])
        wrl_t = plsc.load_gather(wrl_v, [t16])
        gamma = _GAMMA0 * lce16 / (avg_c + _EPS)
        focal = jnp.exp(gamma * l1p16)
        went_t = invh_t * inv_tot
        red = (lce16 < _TAU) & (lce16 >= lamv) & (t16 < _HEAD)
        wsp = jnp.where(lce16 < lamv, 0.0, jnp.where(red, _ALPHA_R, 1.0))
        wcomb = (wsp + _EPS) * (went_t + _EPS) * (wrl_t + _EPS)
        return acc + wcomb * focal * lce16

    acc = lax.fori_loop(0, _RPT // 16, _row_body, zero16)
    psum_v[...] = acc
    pltpu.sync_copy(psum_v, rsum_sh.at[pl.ds(sid * 16, 16)])
    plsc.subcore_barrier()

    @pl.when((cid == 0) & (sid == 0))
    def _():
        pltpu.sync_copy(rsum_sh, rsums_v)
        tot2 = zero16
        for src in range(_NSUB):
            tot2 = tot2 + rsums_v[pl.ds(src * 16, 16)]
        out_v[...] = jnp.broadcast_to(jnp.sum(tot2) * (1.0 / _N), (16,))
        pltpu.sync_copy(out_v, out_hbm)


def _make_sc_combine():
  return functools.partial(
    pl.kernel,
    out_type=jax.ShapeDtypeStruct((16,), jnp.float32),
    mesh=plsc.VectorSubcoreMesh(core_axis_name="c", subcore_axis_name="s"),
    compiler_params=pltpu.CompilerParams(needs_layout_passes=False),
    scratch_types=[
        pltpu.VMEM((_RPT,), jnp.int32),
        pltpu.VMEM((_RPT,), jnp.float32),
        pltpu.VMEM((_RPT,), jnp.float32),
        pltpu.VMEM((_CPT,), jnp.float32),
        pltpu.VMEM((_CPT,), jnp.float32),
        pltpu.VMEM((_CPT,), jnp.float32),
        pltpu.VMEM((_CPT,), jnp.float32),
        pltpu.VMEM((_CPT,), jnp.float32),
        pltpu.VMEM((_CPT,), jnp.float32),
        pltpu.VMEM((_CPT,), jnp.float32),
        pltpu.VMEM((_CP,), jnp.float32),
        pltpu.VMEM((_CP,), jnp.float32),
        pltpu.VMEM((_CP,), jnp.float32),
        pltpu.VMEM((16,), jnp.float32),
        pltpu.VMEM((16,), jnp.float32),
        pltpu.VMEM((_NSUB * 16,), jnp.float32),
        pltpu.VMEM((_NSUB * 16,), jnp.float32),
        pltpu.VMEM((16,), jnp.float32),
        pltpu.SemaphoreType.DMA,
        pltpu.VMEM_SHARED((_CP,), jnp.float32),
        pltpu.VMEM_SHARED((_CP,), jnp.float32),
        pltpu.VMEM_SHARED((_NSUB * 16,), jnp.float32),
        pltpu.VMEM_SHARED((_NSUB * 16,), jnp.float32),
    ],
  )(_sc_body)


def kernel(logits, targets, epoch, class_loss_avg, class_entropy_avg,
           class_rl_weight):
    lce, l1p, cnts, lsms, esms = _tc_stats(logits, targets.reshape(_N, 1))

    ep = jnp.asarray(epoch, jnp.float32)
    lam = _LAMBDA_MAX * jnp.minimum(1.0, ep / _TOTAL_EPOCHS)
    lam16 = jnp.broadcast_to(lam.astype(jnp.float32), (16,))

    out16 = _make_sc_combine()(targets, lce, l1p, cnts, lsms, esms,
                               class_loss_avg, class_entropy_avg,
                               class_rl_weight, lam16)
    return out16[0]

# --- scband reference (transcript-rebuilt; emitter-appended) ---
"""Pipeline reference for scband-rlhybrid-spfocal-loss-86827058856274 (READ-ONLY COPY).

The authoritative reference and input builder live on the scoring server;
editing this copy changes nothing except your own understanding.
"""

import jax, jax.numpy as jnp
import numpy as np

N = 16384
NUM_CLASSES = 1000
GAMMA0 = 2.0
ALPHA_R = 0.1
TAU = 0.2
LAMBDA_MAX = 1.0
TOTAL_EPOCHS = 200
EMA_DECAY = 0.9
EPS = 1e-06
HEAD_CLASSES = np.arange(100, dtype=np.int32)


def setup_inputs(seed: int = 0):
    key = jax.random.key(seed)
    k1, k2 = jax.random.split(key)
    logits = jax.random.normal(k1, (N, NUM_CLASSES), dtype=jnp.float32)
    targets = jax.random.randint(k2, (N,), 0, NUM_CLASSES, dtype=jnp.int32)
    return {
        'logits': logits,
        'targets': targets,
        'epoch': 100,
        'class_loss_avg': jnp.zeros((NUM_CLASSES,), jnp.float32),
        'class_entropy_avg': jnp.zeros((NUM_CLASSES,), jnp.float32),
        'class_rl_weight': jnp.ones((NUM_CLASSES,), jnp.float32),
    }


def _forward(logits, targets, epoch, class_loss_avg, class_entropy_avg, class_rl_weight):
    C = logits.shape[1]
    probs = jax.nn.softmax(logits, axis=1)
    p_t = jnp.take_along_axis(probs, targets[:, None], axis=1)[:, 0]
    loss_ce = -jnp.log(p_t + EPS)
    # per-class EMA update of class_loss_avg (detached in torch -> stop_gradient)
    counts = jax.ops.segment_sum(jnp.ones_like(loss_ce), targets, num_segments=C)
    present = counts > 0
    mean_loss = jax.ops.segment_sum(loss_ce, targets, num_segments=C) / jnp.maximum(counts, 1.0)
    new_loss_avg = jnp.where(present, EMA_DECAY * class_loss_avg + (1.0 - EMA_DECAY) * jax.lax.stop_gradient(mean_loss), class_loss_avg)
    # per-class EMA update of class_entropy_avg (detached)
    ent = -(probs * jnp.log(probs + EPS)).sum(axis=1)
    mean_ent = jax.ops.segment_sum(ent, targets, num_segments=C) / jnp.maximum(counts, 1.0)
    new_ent_avg = jnp.where(present, EMA_DECAY * class_entropy_avg + (1.0 - EMA_DECAY) * jax.lax.stop_gradient(mean_ent), class_entropy_avg)
    inv_h = 1.0 / (new_ent_avg + EPS)
    w_ent = inv_h / inv_h.sum()
    lam = LAMBDA_MAX * jnp.minimum(1.0, epoch / TOTAL_EPOCHS)
    avg_c = new_loss_avg[targets]
    gamma_i = GAMMA0 * (loss_ce / (avg_c + EPS))
    w_sp = jnp.ones_like(loss_ce)
    w_sp = jnp.where(loss_ce < lam, jnp.zeros_like(w_sp), w_sp)
    head_arr = jnp.asarray(HEAD_CLASSES)
    head_mask = (targets[:, None] == head_arr[None, :]).any(axis=1)
    redundant = (loss_ce < TAU) & (loss_ce >= lam) & head_mask
    w_sp = jnp.where(redundant, ALPHA_R * jnp.ones_like(w_sp), w_sp)
    focal = (1.0 - p_t) ** gamma_i
    w_rl = class_rl_weight[targets]
    log_w_sp = jnp.log(w_sp + EPS)
    log_w_ent = jnp.log(w_ent[targets] + EPS)
    log_w_rl = jnp.log(w_rl + EPS)
    w_comb = jnp.exp(log_w_sp + log_w_ent + log_w_rl)
    loss = w_comb * focal * loss_ce
    return loss.mean()


def reference(logits, targets, epoch, class_loss_avg, class_entropy_avg, class_rl_weight):
    return _forward(logits, targets, epoch, class_loss_avg, class_entropy_avg, class_rl_weight)

if __name__ == "__main__":
    import jax
    _d = setup_inputs()
    print(jax.jit(kernel)(*tuple(_d.values())))

</pallas_src>

<mosaic_0001>
#map = affine_map<(d0, d1) -> (0)>
module attributes {stable_mosaic.version = 14 : i64} {
  func.func @_sc_body(%arg0: i32, %arg1: i32, %arg2: memref<16384xi32, #tpu.memory_space<hbm>>, %arg3: memref<16384xf32, #tpu.memory_space<hbm>>, %arg4: memref<16384xf32, #tpu.memory_space<hbm>>, %arg5: memref<1000xf32, #tpu.memory_space<hbm>>, %arg6: memref<1000xf32, #tpu.memory_space<hbm>>, %arg7: memref<1000xf32, #tpu.memory_space<hbm>>, %arg8: memref<1000xf32, #tpu.memory_space<hbm>>, %arg9: memref<1000xf32, #tpu.memory_space<hbm>>, %arg10: memref<1000xf32, #tpu.memory_space<hbm>>, %arg11: memref<16xf32, #tpu.memory_space<hbm>>, %arg12: memref<16xf32, #tpu.memory_space<hbm>>, %arg13: memref<1024xi32, #tpu.memory_space<vmem>>, %arg14: memref<1024xf32, #tpu.memory_space<vmem>>, %arg15: memref<1024xf32, #tpu.memory_space<vmem>>, %arg16: memref<64xf32, #tpu.memory_space<vmem>>, %arg17: memref<64xf32, #tpu.memory_space<vmem>>, %arg18: memref<64xf32, #tpu.memory_space<vmem>>, %arg19: memref<64xf32, #tpu.memory_space<vmem>>, %arg20: memref<64xf32, #tpu.memory_space<vmem>>, %arg21: memref<64xf32, #tpu.memory_space<vmem>>, %arg22: memref<64xf32, #tpu.memory_space<vmem>>, %arg23: memref<1024xf32, #tpu.memory_space<vmem>>, %arg24: memref<1024xf32, #tpu.memory_space<vmem>>, %arg25: memref<1024xf32, #tpu.memory_space<vmem>>, %arg26: memref<16xf32, #tpu.memory_space<vmem>>, %arg27: memref<16xf32, #tpu.memory_space<vmem>>, %arg28: memref<256xf32, #tpu.memory_space<vmem>>, %arg29: memref<256xf32, #tpu.memory_space<vmem>>, %arg30: memref<16xf32, #tpu.memory_space<vmem>>, %arg31: memref<!tpu.dma_semaphore, #tpu.memory_space<semaphore_mem>>, %arg32: memref<1024xf32, #tpu.memory_space<vmem_shared>>, %arg33: memref<1024xf32, #tpu.memory_space<vmem_shared>>, %arg34: memref<256xf32, #tpu.memory_space<vmem_shared>>, %arg35: memref<256xf32, #tpu.memory_space<vmem_shared>>) attributes {dimension_semantics = [#tpu.dimension_semantics<core_parallel>, #tpu.dimension_semantics<subcore_parallel>], iteration_bounds = array<i64: 2, 16>, scalar_prefetch = 0 : i64, scratch_operands = 23 : i64, tpu.core_type = #tpu.core_type<sc_vector_subcore>, window_params = [{transform_indices = #map}, {transform_indices = #map}, {transform_indices = #map}, {transform_indices = #map}, {transform_indices = #map}, {transform_indices = #map}, {transform_indices = #map}, {transform_indices = #map}, {transform_indices = #map}, {transform_indices = #map}, {transform_indices = #map}]} {
    %mul3A = arith.constant 1024 : i32
    %mul3A_0 = arith.muli %arg1, %mul3A : i32
    %dma_start3A = tpu.memref_slice %arg2[%mul3A_0] : memref<16384xi32, #tpu.memory_space<hbm>> -> memref<1024xi32, #tpu.memory_space<hbm>>
    %dma_start3A_1 = tpu.memref_slice %arg2[%mul3A_0] : memref<16384xi32, #tpu.memory_space<hbm>> -> memref<1024xi32, #tpu.memory_space<hbm>>
    tpu.enqueue_dma source(%dma_start3A_1 : memref<1024xi32, #tpu.memory_space<hbm>>) target(%arg13 : memref<1024xi32, #tpu.memory_space<vmem>>) target_semaphore(%arg31 : memref<!tpu.dma_semaphore, #tpu.memory_space<semaphore_mem>>)
    %dma_start3A_2 = tpu.memref_slice %arg3[%mul3A_0] : memref<16384xf32, #tpu.memory_space<hbm>> -> memref<1024xf32, #tpu.memory_space<hbm>>
    %dma_start3A_3 = tpu.memref_slice %arg3[%mul3A_0] : memref<16384xf32, #tpu.memory_space<hbm>> -> memref<1024xf32, #tpu.memory_space<hbm>>
    tpu.enqueue_dma source(%dma_start3A_3 : memref<1024xf32, #tpu.memory_space<hbm>>) target(%arg14 : memref<1024xf32, #tpu.memory_space<vmem>>) target_semaphore(%arg31 : memref<!tpu.dma_semaphore, #tpu.memory_space<semaphore_mem>>)
    %dma_start3A_4 = tpu.memref_slice %arg4[%mul3A_0] : memref<16384xf32, #tpu.memory_space<hbm>> -> memref<1024xf32, #tpu.memory_space<hbm>>
    %dma_start3A_5 = tpu.memref_slice %arg4[%mul3A_0] : memref<16384xf32, #tpu.memory_space<hbm>> -> memref<1024xf32, #tpu.memory_space<hbm>>
    tpu.enqueue_dma source(%dma_start3A_5 : memref<1024xf32, #tpu.memory_space<hbm>>) target(%arg15 : memref<1024xf32, #tpu.memory_space<vmem>>) target_semaphore(%arg31 : memref<!tpu.dma_semaphore, #tpu.memory_space<semaphore_mem>>)
    %dma_start3A_6 = arith.constant 0 : i32
    %dma_start3A_7 = tpu.memref_slice %arg25[%dma_start3A_6] : memref<1024xf32, #tpu.memory_space<vmem>> -> memref<1000xf32, #tpu.memory_space<vmem>>
    %dma_start3A_8 = arith.constant 0 : i32
    %dma_start3A_9 = tpu.memref_slice %arg25[%dma_start3A_8] : memref<1024xf32, #tpu.memory_space<vmem>> -> memref<1000xf32, #tpu.memory_space<vmem>>
    tpu.enqueue_dma source(%arg10 : memref<1000xf32, #tpu.memory_space<hbm>>) target(%dma_start3A_9 : memref<1000xf32, #tpu.memory_space<vmem>>) target_semaphore(%arg31 : memref<!tpu.dma_semaphore, #tpu.memory_space<semaphore_mem>>)
    tpu.enqueue_dma source(%arg11 : memref<16xf32, #tpu.memory_space<hbm>>) target(%arg26 : memref<16xf32, #tpu.memory_space<vmem>>) target_semaphore(%arg31 : memref<!tpu.dma_semaphore, #tpu.memory_space<semaphore_mem>>)
    %broadcast_in_dim3A = arith.constant 0.000000e+00 : f32
    %broadcast_in_dim3A_10 = vector.broadcast %broadcast_in_dim3A : f32 to vector<16xf32>
    %mul3A_11 = arith.constant 64 : i32
    %mul3A_12 = arith.muli %arg1, %mul3A_11 : i32
    %swap3A = arith.constant 0 : index
    %swap3A_13 = tpu.vector_load %arg16[%swap3A] {strides = array<i32>} : memref<64xf32, #tpu.memory_space<vmem>>, vector<16xf32>,
    tpu.vector_store %arg16[%swap3A], %broadcast_in_dim3A_10 {strides = array<i32>} : memref<64xf32, #tpu.memory_space<vmem>>, vector<16xf32>,
    %swap3A_14 = arith.constant 0 : index
    %swap3A_15 = tpu.vector_load %arg17[%swap3A_14] {strides = array<i32>} : memref<64xf32, #tpu.memory_space<vmem>>, vector<16xf32>,
    tpu.vector_store %arg17[%swap3A_14], %broadcast_in_dim3A_10 {strides = array<i32>} : memref<64xf32, #tpu.memory_space<vmem>>, vector<16xf32>,
    %swap3A_16 = arith.constant 0 : index
    %swap3A_17 = tpu.vector_load %arg18[%swap3A_16] {strides = array<i32>} : memref<64xf32, #tpu.memory_space<vmem>>, vector<16xf32>,
    tpu.vector_store %arg18[%swap3A_16], %broadcast_in_dim3A_10 {strides = array<i32>} : memref<64xf32, #tpu.memory_space<vmem>>, vector<16xf32>,
    %swap3A_18 = arith.constant 0 : index
    %swap3A_19 = tpu.vector_load %arg19[%swap3A_18] {strides = array<i32>} : memref<64xf32, #tpu.memory_space<vmem>>, vector<16xf32>,
    tpu.vector_store %arg19[%swap3A_18], %broadcast_in_dim3A_10 {strides = array<i32>} : memref<64xf32, #tpu.memory_space<vmem>>, vector<16xf32>,
    %swap3A_20 = arith.constant 0 : index
    %swap3A_21 = tpu.vector_load %arg20[%swap3A_20] {strides = array<i32>} : memref<64xf32, #tpu.memory_space<vmem>>, vector<16xf32>,
    tpu.vector_store %arg20[%swap3A_20], %broadcast_in_dim3A_10 {strides = array<i32>} : memref<64xf32, #tpu.memory_space<vmem>>, vector<16xf32>,
    %swap3A_22 = arith.constant 16 : index
    %swap3A_23 = tpu.vector_load %arg16[%swap3A_22] {strides = array<i32>} : memref<64xf32, #tpu.memory_space<vmem>>, vector<16xf32>,
    tpu.vector_store %arg16[%swap3A_22], %broadcast_in_dim3A_10 {strides = array<i32>} : memref<64xf32, #tpu.memory_space<vmem>>, vector<16xf32>,
    %swap3A_24 = arith.constant 16 : index
    %swap3A_25 = tpu.vector_load %arg17[%swap3A_24] {strides = array<i32>} : memref<64xf32, #tpu.memory_space<vmem>>, vector<16xf32>,
    tpu.vector_store %arg17[%swap3A_24], %broadcast_in_dim3A_10 {strides = array<i32>} : memref<64xf32, #tpu.memory_space<vmem>>, vector<16xf32>,
    %swap3A_26 = arith.constant 16 : index
    %swap3A_27 = tpu.vector_load %arg18[%swap3A_26] {strides = array<i32>} : memref<64xf32, #tpu.memory_space<vmem>>, vector<16xf32>,
    tpu.vector_store %arg18[%swap3A_26], %broadcast_in_dim3A_10 {strides = array<i32>} : memref<64xf32, #tpu.memory_space<vmem>>, vector<16xf32>,
    %swap3A_28 = arith.constant 16 : index
    %swap3A_29 = tpu.vector_load %arg19[%swap3A_28] {strides = array<i32>} : memref<64xf32, #tpu.memory_space<vmem>>, vector<16xf32>,
    tpu.vector_store %arg19[%swap3A_28], %broadcast_in_dim3A_10 {strides = array<i32>} : memref<64xf32, #tpu.memory_space<vmem>>, vector<16xf32>,
    %swap3A_30 = arith.constant 16 : index
    %swap3A_31 = tpu.vector_load %arg20[%swap3A_30] {strides = array<i32>} : memref<64xf32, #tpu.memory_space<vmem>>, vector<16xf32>,
    tpu.vector_store %arg20[%swap3A_30], %broadcast_in_dim3A_10 {strides = array<i32>} : memref<64xf32, #tpu.memory_space<vmem>>, vector<16xf32>,
    %swap3A_32 = arith.constant 32 : index
    %swap3A_33 = tpu.vector_load %arg16[%swap3A_32] {strides = array<i32>} : memref<64xf32, #tpu.memory_space<vmem>>, vector<16xf32>,
    tpu.vector_store %arg16[%swap3A_32], %broadcast_in_dim3A_10 {strides = array<i32>} : memref<64xf32, #tpu.memory_space<vmem>>, vector<16xf32>,
    %swap3A_34 = arith.constant 32 : index
    %swap3A_35 = tpu.vector_load %arg17[%swap3A_34] {strides = array<i32>} : memref<64xf32, #tpu.memory_space<vmem>>, vector<16xf32>,
    tpu.vector_store %arg17[%swap3A_34], %broadcast_in_dim3A_10 {strides = array<i32>} : memref<64xf32, #tpu.memory_space<vmem>>, vector<16xf32>,
    %swap3A_36 = arith.constant 32 : index
    %swap3A_37 = tpu.vector_load %arg18[%swap3A_36] {strides = array<i32>} : memref<64xf32, #tpu.memory_space<vmem>>, vector<16xf32>,
    tpu.vector_store %arg18[%swap3A_36], %broadcast_in_dim3A_10 {strides = array<i32>} : memref<64xf32, #tpu.memory_space<vmem>>, vector<16xf32>,
    %swap3A_38 = arith.constant 32 : index
    %swap3A_39 = tpu.vector_load %arg19[%swap3A_38] {strides = array<i32>} : memref<64xf32, #tpu.memory_space<vmem>>, vector<16xf32>,
    tpu.vector_store %arg19[%swap3A_38], %broadcast_in_dim3A_10 {strides = array<i32>} : memref<64xf32, #tpu.memory_space<vmem>>, vector<16xf32>,
    %swap3A_40 = arith.constant 32 : index
    %swap3A_41 = tpu.vector_load %arg20[%swap3A_40] {strides = array<i32>} : memref<64xf32, #tpu.memory_space<vmem>>, vector<16xf32>,
    tpu.vector_store %arg20[%swap3A_40], %broadcast_in_dim3A_10 {strides = array<i32>} : memref<64xf32, #tpu.memory_space<vmem>>, vector<16xf32>,
    %swap3A_42 = arith.constant 48 : index
    %swap3A_43 = tpu.vector_load %arg16[%swap3A_42] {strides = array<i32>} : memref<64xf32, #tpu.memory_space<vmem>>, vector<16xf32>,
    tpu.vector_store %arg16[%swap3A_42], %broadcast_in_dim3A_10 {strides = array<i32>} : memref<64xf32, #tpu.memory_space<vmem>>, vector<16xf32>,
    %swap3A_44 = arith.constant 48 : index
    %swap3A_45 = tpu.vector_load %arg17[%swap3A_44] {strides = array<i32>} : memref<64xf32, #tpu.memory_space<vmem>>, vector<16xf32>,
    tpu.vector_store %arg17[%swap3A_44], %broadcast_in_dim3A_10 {strides = array<i32>} : memref<64xf32, #tpu.memory_space<vmem>>, vector<16xf32>,
    %swap3A_46 = arith.constant 48 : index
    %swap3A_47 = tpu.vector_load %arg18[%swap3A_46] {strides = array<i32>} : memref<64xf32, #tpu.memory_space<vmem>>, vector<16xf32>,
    tpu.vector_store %arg18[%swap3A_46], %broadcast_in_dim3A_10 {strides = array<i32>} : memref<64xf32, #tpu.memory_space<vmem>>, vector<16xf32>,
    %swap3A_48 = arith.constant 48 : index
    %swap3A_49 = tpu.vector_load %arg19[%swap3A_48] {strides = array<i32>} : memref<64xf32, #tpu.memory_space<vmem>>, vector<16xf32>,
    tpu.vector_store %arg19[%swap3A_48], %broadcast_in_dim3A_10 {strides = array<i32>} : memref<64xf32, #tpu.memory_space<vmem>>, vector<16xf32>,
    %swap3A_50 = arith.constant 48 : index
    %swap3A_51 = tpu.vector_load %arg20[%swap3A_50] {strides = array<i32>} : memref<64xf32, #tpu.memory_space<vmem>>, vector<16xf32>,
    tpu.vector_store %arg20[%swap3A_50], %broadcast_in_dim3A_10 {strides = array<i32>} : memref<64xf32, #tpu.memory_space<vmem>>, vector<16xf32>,
    %lt3A = arith.constant 15 : i32
    %lt3A_52 = arith.cmpi slt, %arg1, %lt3A : i32
    %convert_element_type3A = arith.extui %lt3A_52 : i1 to i32
    %cond3A = arith.constant 0 : i32
    %cond3A_53 = arith.cmpi ne, %convert_element_type3A, %cond3A : i32
    scf.if %cond3A_53 {
      "tpu.region"() ({
        %run_scoped3A = tpu.sem_alloc : memref<!tpu.dma_semaphore, #tpu.memory_space<semaphore_mem>>
        %dma_start3A_361 = tpu.memref_slice %arg5[%mul3A_12] : memref<1000xf32, #tpu.memory_space<hbm>> -> memref<64xf32, #tpu.memory_space<hbm>>
        %dma_start3A_362 = tpu.memref_slice %arg5[%mul3A_12] : memref<1000xf32, #tpu.memory_space<hbm>> -> memref<64xf32, #tpu.memory_space<hbm>>
        tpu.enqueue_dma source(%dma_start3A_362 : memref<64xf32, #tpu.memory_space<hbm>>) target(%arg16 : memref<64xf32, #tpu.memory_space<vmem>>) target_semaphore(%run_scoped3A : memref<!tpu.dma_semaphore, #tpu.memory_space<semaphore_mem>>)
        %dma_wait3A_363 = tpu.memref_slice %arg5[%mul3A_12] : memref<1000xf32, #tpu.memory_space<hbm>> -> memref<64xf32, #tpu.memory_space<hbm>>
        %dma_wait3A_364 = tpu.memref_slice %arg5[%mul3A_12] : memref<1000xf32, #tpu.memory_space<hbm>> -> memref<64xf32, #tpu.memory_space<hbm>>
        tpu.wait_dma2 semaphore(%run_scoped3A : memref<!tpu.dma_semaphore, #tpu.memory_space<semaphore_mem>>) src(%dma_wait3A_364 : memref<64xf32, #tpu.memory_space<hbm>>) dst(%arg16 : memref<64xf32, #tpu.memory_space<vmem>>)
        tpu.yield
      }) : () -> ()
      "tpu.region"() ({
        %run_scoped3A = tpu.sem_alloc : memref<!tpu.dma_semaphore, #tpu.memory_space<semaphore_mem>>
        %dma_start3A_361 = tpu.memref_slice %arg6[%mul3A_12] : memref<1000xf32, #tpu.memory_space<hbm>> -> memref<64xf32, #tpu.memory_space<hbm>>
        %dma_start3A_362 = tpu.memref_slice %arg6[%mul3A_12] : memref<1000xf32, #tpu.memory_space<hbm>> -> memref<64xf32, #tpu.memory_space<hbm>>
        tpu.enqueue_dma source(%dma_start3A_362 : memref<64xf32, #tpu.memory_space<hbm>>) target(%arg17 : memref<64xf32, #tpu.memory_space<vmem>>) target_semaphore(%run_scoped3A : memref<!tpu.dma_semaphore, #tpu.memory_space<semaphore_mem>>)
        %dma_wait3A_363 = tpu.memref_slice %arg6[%mul3A_12] : memref<1000xf32, #tpu.memory_space<hbm>> -> memref<64xf32, #tpu.memory_space<hbm>>
        %dma_wait3A_364 = tpu.memref_slice %arg6[%mul3A_12] : memref<1000xf32, #tpu.memory_space<hbm>> -> memref<64xf32, #tpu.memory_space<hbm>>
        tpu.wait_dma2 semaphore(%run_scoped3A : memref<!tpu.dma_semaphore, #tpu.memory_space<semaphore_mem>>) src(%dma_wait3A_364 : memref<64xf32, #tpu.memory_space<hbm>>) dst(%arg17 : memref<64xf32, #tpu.memory_space<vmem>>)
        tpu.yield
      }) : () -> ()
      "tpu.region"() ({
        %run_scoped3A = tpu.sem_alloc : memref<!tpu.dma_semaphore, #tpu.memory_space<semaphore_mem>>
        %dma_start3A_361 = tpu.memref_slice %arg7[%mul3A_12] : memref<1000xf32, #tpu.memory_space<hbm>> -> memref<64xf32, #tpu.memory_space<hbm>>
        %dma_start3A_362 = tpu.memref_slice %arg7[%mul3A_12] : memref<1000xf32, #tpu.memory_space<hbm>> -> memref<64xf32, #tpu.memory_space<hbm>>
        tpu.enqueue_dma source(%dma_start3A_362 : memref<64xf32, #tpu.memory_space<hbm>>) target(%arg18 : memref<64xf32, #tpu.memory_space<vmem>>) target_semaphore(%run_scoped3A : memref<!tpu.dma_semaphore, #tpu.memory_space<semaphore_mem>>)
        %dma_wait3A_363 = tpu.memref_slice %arg7[%mul3A_12] : memref<1000xf32, #tpu.memory_space<hbm>> -> memref<64xf32, #tpu.memory_space<hbm>>
        %dma_wait3A_364 = tpu.memref_slice %arg7[%mul3A_12] : memref<1000xf32, #tpu.memory_space<hbm>> -> memref<64xf32, #tpu.memory_space<hbm>>
        tpu.wait_dma2 semaphore(%run_scoped3A : memref<!tpu.dma_semaphore, #tpu.memory_space<semaphore_mem>>) src(%dma_wait3A_364 : memref<64xf32, #tpu.memory_space<hbm>>) dst(%arg18 : memref<64xf32, #tpu.memory_space<vmem>>)
        tpu.yield
      }) : () -> ()
      "tpu.region"() ({
        %run_scoped3A = tpu.sem_alloc : memref<!tpu.dma_semaphore, #tpu.memory_space<semaphore_mem>>
        %dma_start3A_361 = tpu.memref_slice %arg8[%mul3A_12] : memref<1000xf32, #tpu.memory_space<hbm>> -> memref<64xf32, #tpu.memory_space<hbm>>
        %dma_start3A_362 = tpu.memref_slice %arg8[%mul3A_12] : memref<1000xf32, #tpu.memory_space<hbm>> -> memref<64xf32, #tpu.memory_space<hbm>>
        tpu.enqueue_dma source(%dma_start3A_362 : memref<64xf32, #tpu.memory_space<hbm>>) target(%arg19 : memref<64xf32, #tpu.memory_space<vmem>>) target_semaphore(%run_scoped3A : memref<!tpu.dma_semaphore, #tpu.memory_space<semaphore_mem>>)
        %dma_wait3A_363 = tpu.memref_slice %arg8[%mul3A_12] : memref<1000xf32, #tpu.memory_space<hbm>> -> memref<64xf32, #tpu.memory_space<hbm>>
        %dma_wait3A_364 = tpu.memref_slice %arg8[%mul3A_12] : memref<1000xf32, #tpu.memory_space<hbm>> -> memref<64xf32, #tpu.memory_space<hbm>>
        tpu.wait_dma2 semaphore(%run_scoped3A : memref<!tpu.dma_semaphore, #tpu.memory_space<semaphore_mem>>) src(%dma_wait3A_364 : memref<64xf32, #tpu.memory_space<hbm>>) dst(%arg19 : memref<64xf32, #tpu.memory_space<vmem>>)
        tpu.yield
      }) : () -> ()
      "tpu.region"() ({
        %run_scoped3A = tpu.sem_alloc : memref<!tpu.dma_semaphore, #tpu.memory_space<semaphore_mem>>
        %dma_start3A_361 = tpu.memref_slice %arg9[%mul3A_12] : memref<1000xf32, #tpu.memory_space<hbm>> -> memref<64xf32, #tpu.memory_space<hbm>>
        %dma_start3A_362 = tpu.memref_slice %arg9[%mul3A_12] : memref<1000xf32, #tpu.memory_space<hbm>> -> memref<64xf32, #tpu.memory_space<hbm>>
        tpu.enqueue_dma source(%dma_start3A_362 : memref<64xf32, #tpu.memory_space<hbm>>) target(%arg20 : memref<64xf32, #tpu.memory_space<vmem>>) target_semaphore(%run_scoped3A : memref<!tpu.dma_semaphore, #tpu.memory_space<semaphore_mem>>)
        %dma_wait3A_363 = tpu.memref_slice %arg9[%mul3A_12] : memref<1000xf32, #tpu.memory_space<hbm>> -> memref<64xf32, #tpu.memory_space<hbm>>
        %dma_wait3A_364 = tpu.memref_slice %arg9[%mul3A_12] : memref<1000xf32, #tpu.memory_space<hbm>> -> memref<64xf32, #tpu.memory_space<hbm>>
        tpu.wait_dma2 semaphore(%run_scoped3A : memref<!tpu.dma_semaphore, #tpu.memory_space<semaphore_mem>>) src(%dma_wait3A_364 : memref<64xf32, #tpu.memory_space<hbm>>) dst(%arg20 : memref<64xf32, #tpu.memory_space<vmem>>)
        tpu.yield
      }) : () -> ()
    } else {
    }
    %eq3A = arith.constant 15 : i32
    %eq3A_54 = arith.cmpi eq, %arg1, %eq3A : i32
    %convert_element_type3A_55 = arith.extui %eq3A_54 : i1 to i32
    %cond3A_56 = arith.constant 0 : i32
    %cond3A_57 = arith.cmpi ne, %convert_element_type3A_55, %cond3A_56 : i32
    scf.if %cond3A_57 {
      "tpu.region"() ({
        %run_scoped3A = tpu.sem_alloc : memref<!tpu.dma_semaphore, #tpu.memory_space<semaphore_mem>>
        %dma_start3A_361 = arith.constant 0 : i32
        %dma_start3A_362 = tpu.memref_slice %arg16[%dma_start3A_361] : memref<64xf32, #tpu.memory_space<vmem>> -> memref<40xf32, #tpu.memory_space<vmem>>
        %dma_start3A_363 = tpu.memref_slice %arg5[%mul3A_12] : memref<1000xf32, #tpu.memory_space<hbm>> -> memref<40xf32, #tpu.memory_space<hbm>>
        %dma_start3A_364 = arith.constant 0 : i32
        %dma_start3A_365 = tpu.memref_slice %arg16[%dma_start3A_364] : memref<64xf32, #tpu.memory_space<vmem>> -> memref<40xf32, #tpu.memory_space<vmem>>
        %dma_start3A_366 = tpu.memref_slice %arg5[%mul3A_12] : memref<1000xf32, #tpu.memory_space<hbm>> -> memref<40xf32, #tpu.memory_space<hbm>>
        tpu.enqueue_dma source(%dma_start3A_366 : memref<40xf32, #tpu.memory_space<hbm>>) target(%dma_start3A_365 : memref<40xf32, #tpu.memory_space<vmem>>) target_semaphore(%run_scoped3A : memref<!tpu.dma_semaphore, #tpu.memory_space<semaphore_mem>>)
        %dma_wait3A_367 = arith.constant 0 : i32
        %dma_wait3A_368 = tpu.memref_slice %arg16[%dma_wait3A_367] : memref<64xf32, #tpu.memory_space<vmem>> -> memref<40xf32, #tpu.memory_space<vmem>>
        %dma_wait3A_369 = tpu.memref_slice %arg5[%mul3A_12] : memref<1000xf32, #tpu.memory_space<hbm>> -> memref<40xf32, #tpu.memory_space<hbm>>
        %dma_wait3A_370 = arith.constant 0 : i32
        %dma_wait3A_371 = tpu.memref_slice %arg16[%dma_wait3A_370] : memref<64xf32, #tpu.memory_space<vmem>> -> memref<40xf32, #tpu.memory_space<vmem>>
        %dma_wait3A_372 = tpu.memref_slice %arg5[%mul3A_12] : memref<1000xf32, #tpu.memory_space<hbm>> -> memref<40xf32, #tpu.memory_space<hbm>>
        tpu.wait_dma2 semaphore(%run_scoped3A : memref<!tpu.dma_semaphore, #tpu.memory_space<semaphore_mem>>) src(%dma_wait3A_372 : memref<40xf32, #tpu.memory_space<hbm>>) dst(%dma_wait3A_371 : memref<40xf32, #tpu.memory_space<vmem>>)
        tpu.yield
      }) : () -> ()
      "tpu.region"() ({
        %run_scoped3A = tpu.sem_alloc : memref<!tpu.dma_semaphore, #tpu.memory_space<semaphore_mem>>
        %dma_start3A_361 = arith.constant 0 : i32
        %dma_start3A_362 = tpu.memref_slice %arg17[%dma_start3A_361] : memref<64xf32, #tpu.memory_space<vmem>> -> memref<40xf32, #tpu.memory_space<vmem>>
        %dma_start3A_363 = tpu.memref_slice %arg6[%mul3A_12] : memref<1000xf32, #tpu.memory_space<hbm>> -> memref<40xf32, #tpu.memory_space<hbm>>
        %dma_start3A_364 = arith.constant 0 : i32
        %dma_start3A_365 = tpu.memref_slice %arg17[%dma_start3A_364] : memref<64xf32, #tpu.memory_space<vmem>> -> memref<40xf32, #tpu.memory_space<vmem>>
        %dma_start3A_366 = tpu.memref_slice %arg6[%mul3A_12] : memref<1000xf32, #tpu.memory_space<hbm>> -> memref<40xf32, #tpu.memory_space<hbm>>
        tpu.enqueue_dma source(%dma_start3A_366 : memref<40xf32, #tpu.memory_space<hbm>>) target(%dma_start3A_365 : memref<40xf32, #tpu.memory_space<vmem>>) target_semaphore(%run_scoped3A : memref<!tpu.dma_semaphore, #tpu.memory_space<semaphore_mem>>)
        %dma_wait3A_367 = arith.constant 0 : i32
        %dma_wait3A_368 = tpu.memref_slice %arg17[%dma_wait3A_367] : memref<64xf32, #tpu.memory_space<vmem>> -> memref<40xf32, #tpu.memory_space<vmem>>
        %dma_wait3A_369 = tpu.memref_slice %arg6[%mul3A_12] : memref<1000xf32, #tpu.memory_space<hbm>> -> memref<40xf32, #tpu.memory_space<hbm>>
        %dma_wait3A_370 = arith.constant 0 : i32
        %dma_wait3A_371 = tpu.memref_slice %arg17[%dma_wait3A_370] : memref<64xf32, #tpu.memory_space<vmem>> -> memref<40xf32, #tpu.memory_space<vmem>>
        %dma_wait3A_372 = tpu.memref_slice %arg6[%mul3A_12] : memref<1000xf32, #tpu.memory_space<hbm>> -> memref<40xf32, #tpu.memory_space<hbm>>
        tpu.wait_dma2 semaphore(%run_scoped3A : memref<!tpu.dma_semaphore, #tpu.memory_space<semaphore_mem>>) src(%dma_wait3A_372 : memref<40xf32, #tpu.memory_space<hbm>>) dst(%dma_wait3A_371 : memref<40xf32, #tpu.memory_space<vmem>>)
        tpu.yield
      }) : () -> ()
      "tpu.region"() ({
        %run_scoped3A = tpu.sem_alloc : memref<!tpu.dma_semaphore, #tpu.memory_space<semaphore_mem>>
        %dma_start3A_361 = arith.constant 0 : i32
        %dma_start3A_362 = tpu.memref_slice %arg18[%dma_start3A_361] : memref<64xf32, #tpu.memory_space<vmem>> -> memref<40xf32, #tpu.memory_space<vmem>>
        %dma_start3A_363 = tpu.memref_slice %arg7[%mul3A_12] : memref<1000xf32, #tpu.memory_space<hbm>> -> memref<40xf32, #tpu.memory_space<hbm>>
        %dma_start3A_364 = arith.constant 0 : i32
        %dma_start3A_365 = tpu.memref_slice %arg18[%dma_start3A_364] : memref<64xf32, #tpu.memory_space<vmem>> -> memref<40xf32, #tpu.memory_space<vmem>>
        %dma_start3A_366 = tpu.memref_slice %arg7[%mul3A_12] : memref<1000xf32, #tpu.memory_space<hbm>> -> memref<40xf32, #tpu.memory_space<hbm>>
        tpu.enqueue_dma source(%dma_start3A_366 : memref<40xf32, #tpu.memory_space<hbm>>) target(%dma_start3A_365 : memref<40xf32, #tpu.memory_space<vmem>>) target_semaphore(%run_scoped3A : memref<!tpu.dma_semaphore, #tpu.memory_space<semaphore_mem>>)
        %dma_wait3A_367 = arith.constant 0 : i32
        %dma_wait3A_368 = tpu.memref_slice %arg18[%dma_wait3A_367] : memref<64xf32, #tpu.memory_space<vmem>> -> memref<40xf32, #tpu.memory_space<vmem>>
        %dma_wait3A_369 = tpu.memref_slice %arg7[%mul3A_12] : memref<1000xf32, #tpu.memory_space<hbm>> -> memref<40xf32, #tpu.memory_space<hbm>>
        %dma_wait3A_370 = arith.constant 0 : i32
        %dma_wait3A_371 = tpu.memref_slice %arg18[%dma_wait3A_370] : memref<64xf32, #tpu.memory_space<vmem>> -> memref<40xf32, #tpu.memory_space<vmem>>
        %dma_wait3A_372 = tpu.memref_slice %arg7[%mul3A_12] : memref<1000xf32, #tpu.memory_space<hbm>> -> memref<40xf32, #tpu.memory_space<hbm>>
        tpu.wait_dma2 semaphore(%run_scoped3A : memref<!tpu.dma_semaphore, #tpu.memory_space<semaphore_mem>>) src(%dma_wait3A_372 : memref<40xf32, #tpu.memory_space<hbm>>) dst(%dma_wait3A_371 : memref<40xf32, #tpu.memory_space<vmem>>)
        tpu.yield
      }) : () -> ()
      "tpu.region"() ({
        %run_scoped3A = tpu.sem_alloc : memref<!tpu.dma_semaphore, #tpu.memory_space<semaphore_mem>>
        %dma_start3A_361 = arith.constant 0 : i32
        %dma_start3A_362 = tpu.memref_slice %arg19[%dma_start3A_361] : memref<64xf32, #tpu.memory_space<vmem>> -> memref<40xf32, #tpu.memory_space<vmem>>
        %dma_start3A_363 = tpu.memref_slice %arg8[%mul3A_12] : memref<1000xf32, #tpu.memory_space<hbm>> -> memref<40xf32, #tpu.memory_space<hbm>>
        %dma_start3A_364 = arith.constant 0 : i32
        %dma_start3A_365 = tpu.memref_slice %arg19[%dma_start3A_364] : memref<64xf32, #tpu.memory_space<vmem>> -> memref<40xf32, #tpu.memory_space<vmem>>
        %dma_start3A_366 = tpu.memref_slice %arg8[%mul3A_12] : memref<1000xf32, #tpu.memory_space<hbm>> -> memref<40xf32, #tpu.memory_space<hbm>>
        tpu.enqueue_dma source(%dma_start3A_366 : memref<40xf32, #tpu.memory_space<hbm>>) target(%dma_start3A_365 : memref<40xf32, #tpu.memory_space<vmem>>) target_semaphore(%run_scoped3A : memref<!tpu.dma_semaphore, #tpu.memory_space<semaphore_mem>>)
        %dma_wait3A_367 = arith.constant 0 : i32
        %dma_wait3A_368 = tpu.memref_slice %arg19[%dma_wait3A_367] : memref<64xf32, #tpu.memory_space<vmem>> -> memref<40xf32, #tpu.memory_space<vmem>>
        %dma_wait3A_369 = tpu.memref_slice %arg8[%mul3A_12] : memref<1000xf32, #tpu.memory_space<hbm>> -> memref<40xf32, #tpu.memory_space<hbm>>
        %dma_wait3A_370 = arith.constant 0 : i32
        %dma_wait3A_371 = tpu.memref_slice %arg19[%dma_wait3A_370] : memref<64xf32, #tpu.memory_space<vmem>> -> memref<40xf32, #tpu.memory_space<vmem>>
        %dma_wait3A_372 = tpu.memref_slice %arg8[%mul3A_12] : memref<1000xf32, #tpu.memory_space<hbm>> -> memref<40xf32, #tpu.memory_space<hbm>>
        tpu.wait_dma2 semaphore(%run_scoped3A : memref<!tpu.dma_semaphore, #tpu.memory_space<semaphore_mem>>) src(%dma_wait3A_372 : memref<40xf32, #tpu.memory_space<hbm>>) dst(%dma_wait3A_371 : memref<40xf32, #tpu.memory_space<vmem>>)
        tpu.yield
      }) : () -> ()
      "tpu.region"() ({
        %run_scoped3A = tpu.sem_alloc : memref<!tpu.dma_semaphore, #tpu.memory_space<semaphore_mem>>
        %dma_start3A_361 = arith.constant 0 : i32
        %dma_start3A_362 = tpu.memref_slice %arg20[%dma_start3A_361] : memref<64xf32, #tpu.memory_space<vmem>> -> memref<40xf32, #tpu.memory_space<vmem>>
        %dma_start3A_363 = tpu.memref_slice %arg9[%mul3A_12] : memref<1000xf32, #tpu.memory_space<hbm>> -> memref<40xf32, #tpu.memory_space<hbm>>
        %dma_start3A_364 = arith.constant 0 : i32
        %dma_start3A_365 = tpu.memref_slice %arg20[%dma_start3A_364] : memref<64xf32, #tpu.memory_space<vmem>> -> memref<40xf32, #tpu.memory_space<vmem>>
        %dma_start3A_366 = tpu.memref_slice %arg9[%mul3A_12] : memref<1000xf32, #tpu.memory_space<hbm>> -> memref<40xf32, #tpu.memory_space<hbm>>
        tpu.enqueue_dma source(%dma_start3A_366 : memref<40xf32, #tpu.memory_space<hbm>>) target(%dma_start3A_365 : memref<40xf32, #tpu.memory_space<vmem>>) target_semaphore(%run_scoped3A : memref<!tpu.dma_semaphore, #tpu.memory_space<semaphore_mem>>)
        %dma_wait3A_367 = arith.constant 0 : i32
        %dma_wait3A_368 = tpu.memref_slice %arg20[%dma_wait3A_367] : memref<64xf32, #tpu.memory_space<vmem>> -> memref<40xf32, #tpu.memory_space<vmem>>
        %dma_wait3A_369 = tpu.memref_slice %arg9[%mul3A_12] : memref<1000xf32, #tpu.memory_space<hbm>> -> memref<40xf32, #tpu.memory_space<hbm>>
        %dma_wait3A_370 = arith.constant 0 : i32
        %dma_wait3A_371 = tpu.memref_slice %arg20[%dma_wait3A_370] : memref<64xf32, #tpu.memory_space<vmem>> -> memref<40xf32, #tpu.memory_space<vmem>>
        %dma_wait3A_372 = tpu.memref_slice %arg9[%mul3A_12] : memref<1000xf32, #tpu.memory_space<hbm>> -> memref<40xf32, #tpu.memory_space<hbm>>
        tpu.wait_dma2 semaphore(%run_scoped3A : memref<!tpu.dma_semaphore, #tpu.memory_space<semaphore_mem>>) src(%dma_wait3A_372 : memref<40xf32, #tpu.memory_space<hbm>>) dst(%dma_wait3A_371 : memref<40xf32, #tpu.memory_space<vmem>>)
        tpu.yield
      }) : () -> ()
    } else {
    }
    %get3A = arith.constant 0 : index
    %get3A_58 = tpu.vector_load %arg16[%get3A] {strides = array<i32>} : memref<64xf32, #tpu.memory_space<vmem>>, vector<16xf32>,
    %get3A_59 = arith.constant 0 : index
    %get3A_60 = tpu.vector_load %arg17[%get3A_59] {strides = array<i32>} : memref<64xf32, #tpu.memory_space<vmem>>, vector<16xf32>,
    %get3A_61 = arith.constant 0 : index
    %get3A_62 = tpu.vector_load %arg18[%get3A_61] {strides = array<i32>} : memref<64xf32, #tpu.memory_space<vmem>>, vector<16xf32>,
    %get3A_63 = arith.constant 0 : index
    %get3A_64 = tpu.vector_load %arg19[%get3A_63] {strides = array<i32>} : memref<64xf32, #tpu.memory_space<vmem>>, vector<16xf32>,
    %get3A_65 = arith.constant 0 : index
    %get3A_66 = tpu.vector_load %arg20[%get3A_65] {strides = array<i32>} : memref<64xf32, #tpu.memory_space<vmem>>, vector<16xf32>,
    %gt3A = arith.constant 0.000000e+00 : f32
    %gt3A_67 = vector.broadcast %gt3A : f32 to vector<16xf32>
    %gt3A_68 = arith.cmpf ogt, %get3A_58, %gt3A_67 : vector<16xf32>
    %max3A = arith.constant 1.000000e+00 : f32
    %max3A_69 = vector.broadcast %max3A : f32 to vector<16xf32>
    %max3A_70 = arith.maximumf %get3A_58, %max3A_69 : vector<16xf32>
    %mul3A_71 = arith.constant 0.899999976 : f32
    %mul3A_72 = vector.broadcast %mul3A_71 : f32 to vector<16xf32>
    %mul3A_73 = arith.mulf %mul3A_72, %get3A_64 : vector<16xf32>
    %div3A = arith.divf %get3A_60, %max3A_70 : vector<16xf32>
    %mul3A_74 = arith.constant 1.000000e-01 : f32
    %mul3A_75 = vector.broadcast %mul3A_74 : f32 to vector<16xf32>
    %mul3A_76 = arith.mulf %mul3A_75, %div3A : vector<16xf32>
    %add3A = arith.addf %mul3A_73, %mul3A_76 : vector<16xf32>
    %select_n3A = arith.select %gt3A_68, %add3A, %get3A_64 : vector<16xi1>, vector<16xf32>
    %mul3A_77 = arith.constant 0.899999976 : f32
    %mul3A_78 = vector.broadcast %mul3A_77 : f32 to vector<16xf32>
    %mul3A_79 = arith.mulf %mul3A_78, %get3A_66 : vector<16xf32>
    %div3A_80 = arith.divf %get3A_62, %max3A_70 : vector<16xf32>
    %mul3A_81 = arith.constant 1.000000e-01 : f32
    %mul3A_82 = vector.broadcast %mul3A_81 : f32 to vector<16xf32>
    %mul3A_83 = arith.mulf %mul3A_82, %div3A_80 : vector<16xf32>
    %add3A_84 = arith.addf %mul3A_79, %mul3A_83 : vector<16xf32>
    %select_n3A_85 = arith.select %gt3A_68, %add3A_84, %get3A_66 : vector<16xi1>, vector<16xf32>
    %add3A_86 = arith.constant 9.99999997E-7 : f32
    %add3A_87 = vector.broadcast %add3A_86 : f32 to vector<16xf32>
    %add3A_88 = arith.addf %select_n3A_85, %add3A_87 : vector<16xf32>
    %div3A_89 = arith.constant 1.000000e+00 : f32
    %div3A_90 = vector.broadcast %div3A_89 : f32 to vector<16xf32>
    %div3A_91 = arith.divf %div3A_90, %add3A_88 : vector<16xf32>
    %add3A_92 = arith.constant 0 : i32
    %add3A_93 = arith.addi %mul3A_12, %add3A_92 : i32
    %iota3A = tpu.iota {dimensions = array<i32: 0>} : vector<16xi32>
    %add3A_94 = vector.broadcast %add3A_93 : i32 to vector<16xi32>
    %add3A_95 = arith.addi %add3A_94, %iota3A : vector<16xi32>
    %lt3A_96 = arith.constant 1000 : i32
    %lt3A_97 = vector.broadcast %lt3A_96 : i32 to vector<16xi32>
    %lt3A_98 = arith.cmpi slt, %add3A_95, %lt3A_97 : vector<16xi32>
    %jit3A = arith.constant 0.000000e+00 : f32
    %broadcast_in_dim3A_99 = vector.broadcast %jit3A : f32 to vector<16xf32>
    %select_n3A_100 = arith.select %lt3A_98, %div3A_91, %broadcast_in_dim3A_99 : vector<16xi1>, vector<16xf32>
    %swap3A_101 = arith.constant 0 : index
    %swap3A_102 = tpu.vector_load %arg21[%swap3A_101] {strides = array<i32>} : memref<64xf32, #tpu.memory_space<vmem>>, vector<16xf32>,
    tpu.vector_store %arg21[%swap3A_101], %select_n3A {strides = array<i32>} : memref<64xf32, #tpu.memory_space<vmem>>, vector<16xf32>,
    %swap3A_103 = arith.constant 0 : index
    %swap3A_104 = tpu.vector_load %arg22[%swap3A_103] {strides = array<i32>} : memref<64xf32, #tpu.memory_space<vmem>>, vector<16xf32>,
    tpu.vector_store %arg22[%swap3A_103], %select_n3A_100 {strides = array<i32>} : memref<64xf32, #tpu.memory_space<vmem>>, vector<16xf32>,
    %add3A_105 = arith.addf %broadcast_in_dim3A_10, %select_n3A_100 : vector<16xf32>
    %get3A_106 = arith.constant 16 : index
    %get3A_107 = tpu.vector_load %arg16[%get3A_106] {strides = array<i32>} : memref<64xf32, #tpu.memory_space<vmem>>, vector<16xf32>,
    %get3A_108 = arith.constant 16 : index
    %get3A_109 = tpu.vector_load %arg17[%get3A_108] {strides = array<i32>} : memref<64xf32, #tpu.memory_space<vmem>>, vector<16xf32>,
    %get3A_110 = arith.constant 16 : index
    %get3A_111 = tpu.vector_load %arg18[%get3A_110] {strides = array<i32>} : memref<64xf32, #tpu.memory_space<vmem>>, vector<16xf32>,
    %get3A_112 = arith.constant 16 : index
    %get3A_113 = tpu.vector_load %arg19[%get3A_112] {strides = array<i32>} : memref<64xf32, #tpu.memory_space<vmem>>, vector<16xf32>,
    %get3A_114 = arith.constant 16 : index
    %get3A_115 = tpu.vector_load %arg20[%get3A_114] {strides = array<i32>} : memref<64xf32, #tpu.memory_space<vmem>>, vector<16xf32>,
    %gt3A_116 = arith.constant 0.000000e+00 : f32
    %gt3A_117 = vector.broadcast %gt3A_116 : f32 to vector<16xf32>
    %gt3A_118 = arith.cmpf ogt, %get3A_107, %gt3A_117 : vector<16xf32>
    %max3A_119 = arith.constant 1.000000e+00 : f32
    %max3A_120 = vector.broadcast %max3A_119 : f32 to vector<16xf32>
    %max3A_121 = arith.maximumf %get3A_107, %max3A_120 : vector<16xf32>
    %mul3A_122 = arith.constant 0.899999976 : f32
    %mul3A_123 = vector.broadcast %mul3A_122 : f32 to vector<16xf32>
    %mul3A_124 = arith.mulf %mul3A_123, %get3A_113 : vector<16xf32>
    %div3A_125 = arith.divf %get3A_109, %max3A_121 : vector<16xf32>
    %mul3A_126 = arith.constant 1.000000e-01 : f32
    %mul3A_127 = vector.broadcast %mul3A_126 : f32 to vector<16xf32>
    %mul3A_128 = arith.mulf %mul3A_127, %div3A_125 : vector<16xf32>
    %add3A_129 = arith.addf %mul3A_124, %mul3A_128 : vector<16xf32>
    %select_n3A_130 = arith.select %gt3A_118, %add3A_129, %get3A_113 : vector<16xi1>, vector<16xf32>
    %mul3A_131 = arith.constant 0.899999976 : f32
    %mul3A_132 = vector.broadcast %mul3A_131 : f32 to vector<16xf32>
    %mul3A_133 = arith.mulf %mul3A_132, %get3A_115 : vector<16xf32>
    %div3A_134 = arith.divf %get3A_111, %max3A_121 : vector<16xf32>
    %mul3A_135 = arith.constant 1.000000e-01 : f32
    %mul3A_136 = vector.broadcast %mul3A_135 : f32 to vector<16xf32>
    %mul3A_137 = arith.mulf %mul3A_136, %div3A_134 : vector<16xf32>
    %add3A_138 = arith.addf %mul3A_133, %mul3A_137 : vector<16xf32>
    %select_n3A_139 = arith.select %gt3A_118, %add3A_138, %get3A_115 : vector<16xi1>, vector<16xf32>
    %add3A_140 = arith.constant 9.99999997E-7 : f32
    %add3A_141 = vector.broadcast %add3A_140 : f32 to vector<16xf32>
    %add3A_142 = arith.addf %select_n3A_139, %add3A_141 : vector<16xf32>
    %div3A_143 = arith.constant 1.000000e+00 : f32
    %div3A_144 = vector.broadcast %div3A_143 : f32 to vector<16xf32>
    %div3A_145 = arith.divf %div3A_144, %add3A_142 : vector<16xf32>
    %add3A_146 = arith.constant 16 : i32
    %add3A_147 = arith.addi %mul3A_12, %add3A_146 : i32
    %iota3A_148 = tpu.iota {dimensions = array<i32: 0>} : vector<16xi32>
    %add3A_149 = vector.broadcast %add3A_147 : i32 to vector<16xi32>
    %add3A_150 = arith.addi %add3A_149, %iota3A_148 : vector<16xi32>
    %lt3A_151 = arith.constant 1000 : i32
    %lt3A_152 = vector.broadcast %lt3A_151 : i32 to vector<16xi32>
    %lt3A_153 = arith.cmpi slt, %add3A_150, %lt3A_152 : vector<16xi32>
    %jit3A_154 = arith.constant 0.000000e+00 : f32
    %broadcast_in_dim3A_155 = vector.broadcast %jit3A_154 : f32 to vector<16xf32>
    %select_n3A_156 = arith.select %lt3A_153, %div3A_145, %broadcast_in_dim3A_155 : vector<16xi1>, vector<16xf32>
    %swap3A_157 = arith.constant 16 : index
    %swap3A_158 = tpu.vector_load %arg21[%swap3A_157] {strides = array<i32>} : memref<64xf32, #tpu.memory_space<vmem>>, vector<16xf32>,
    tpu.vector_store %arg21[%swap3A_157], %select_n3A_130 {strides = array<i32>} : memref<64xf32, #tpu.memory_space<vmem>>, vector<16xf32>,
    %swap3A_159 = arith.constant 16 : index
    %swap3A_160 = tpu.vector_load %arg22[%swap3A_159] {strides = array<i32>} : memref<64xf32, #tpu.memory_space<vmem>>, vector<16xf32>,
    tpu.vector_store %arg22[%swap3A_159], %select_n3A_156 {strides = array<i32>} : memref<64xf32, #tpu.memory_space<vmem>>, vector<16xf32>,
    %add3A_161 = arith.addf %add3A_105, %select_n3A_156 : vector<16xf32>
    %get3A_162 = arith.constant 32 : index
    %get3A_163 = tpu.vector_load %arg16[%get3A_162] {strides = array<i32>} : memref<64xf32, #tpu.memory_space<vmem>>, vector<16xf32>,
    %get3A_164 = arith.constant 32 : index
    %get3A_165 = tpu.vector_load %arg17[%get3A_164] {strides = array<i32>} : memref<64xf32, #tpu.memory_space<vmem>>, vector<16xf32>,
    %get3A_166 = arith.constant 32 : index
    %get3A_167 = tpu.vector_load %arg18[%get3A_166] {strides = array<i32>} : memref<64xf32, #tpu.memory_space<vmem>>, vector<16xf32>,
    %get3A_168 = arith.constant 32 : index
    %get3A_169 = tpu.vector_load %arg19[%get3A_168] {strides = array<i32>} : memref<64xf32, #tpu.memory_space<vmem>>, vector<16xf32>,
    %get3A_170 = arith.constant 32 : index
    %get3A_171 = tpu.vector_load %arg20[%get3A_170] {strides = array<i32>} : memref<64xf32, #tpu.memory_space<vmem>>, vector<16xf32>,
    %gt3A_172 = arith.constant 0.000000e+00 : f32
    %gt3A_173 = vector.broadcast %gt3A_172 : f32 to vector<16xf32>
    %gt3A_174 = arith.cmpf ogt, %get3A_163, %gt3A_173 : vector<16xf32>
    %max3A_175 = arith.constant 1.000000e+00 : f32
    %max3A_176 = vector.broadcast %max3A_175 : f32 to vector<16xf32>
    %max3A_177 = arith.maximumf %get3A_163, %max3A_176 : vector<16xf32>
    %mul3A_178 = arith.constant 0.899999976 : f32
    %mul3A_179 = vector.broadcast %mul3A_178 : f32 to vector<16xf32>
    %mul3A_180 = arith.mulf %mul3A_179, %get3A_169 : vector<16xf32>
    %div3A_181 = arith.divf %get3A_165, %max3A_177 : vector<16xf32>
    %mul3A_182 = arith.constant 1.000000e-01 : f32
    %mul3A_183 = vector.broadcast %mul3A_182 : f32 to vector<16xf32>
    %mul3A_184 = arith.mulf %mul3A_183, %div3A_181 : vector<16xf32>
    %add3A_185 = arith.addf %mul3A_180, %mul3A_184 : vector<16xf32>
    %select_n3A_186 = arith.select %gt3A_174, %add3A_185, %get3A_169 : vector<16xi1>, vector<16xf32>
    %mul3A_187 = arith.constant 0.899999976 : f32
    %mul3A_188 = vector.broadcast %mul3A_187 : f32 to vector<16xf32>
    %mul3A_189 = arith.mulf %mul3A_188, %get3A_171 : vector<16xf32>
    %div3A_190 = arith.divf %get3A_167, %max3A_177 : vector<16xf32>
    %mul3A_191 = arith.constant 1.000000e-01 : f32
    %mul3A_192 = vector.broadcast %mul3A_191 : f32 to vector<16xf32>
    %mul3A_193 = arith.mulf %mul3A_192, %div3A_190 : vector<16xf32>
    %add3A_194 = arith.addf %mul3A_189, %mul3A_193 : vector<16xf32>
    %select_n3A_195 = arith.select %gt3A_174, %add3A_194, %get3A_171 : vector<16xi1>, vector<16xf32>
    %add3A_196 = arith.constant 9.99999997E-7 : f32
    %add3A_197 = vector.broadcast %add3A_196 : f32 to vector<16xf32>
    %add3A_198 = arith.addf %select_n3A_195, %add3A_197 : vector<16xf32>
    %div3A_199 = arith.constant 1.000000e+00 : f32
    %div3A_200 = vector.broadcast %div3A_199 : f32 to vector<16xf32>
    %div3A_201 = arith.divf %div3A_200, %add3A_198 : vector<16xf32>
    %add3A_202 = arith.constant 32 : i32
    %add3A_203 = arith.addi %mul3A_12, %add3A_202 : i32
    %iota3A_204 = tpu.iota {dimensions = array<i32: 0>} : vector<16xi32>
    %add3A_205 = vector.broadcast %add3A_203 : i32 to vector<16xi32>
    %add3A_206 = arith.addi %add3A_205, %iota3A_204 : vector<16xi32>
    %lt3A_207 = arith.constant 1000 : i32
    %lt3A_208 = vector.broadcast %lt3A_207 : i32 to vector<16xi32>
    %lt3A_209 = arith.cmpi slt, %add3A_206, %lt3A_208 : vector<16xi32>
    %jit3A_210 = arith.constant 0.000000e+00 : f32
    %broadcast_in_dim3A_211 = vector.broadcast %jit3A_210 : f32 to vector<16xf32>
    %select_n3A_212 = arith.select %lt3A_209, %div3A_201, %broadcast_in_dim3A_211 : vector<16xi1>, vector<16xf32>
    %swap3A_213 = arith.constant 32 : index
    %swap3A_214 = tpu.vector_load %arg21[%swap3A_213] {strides = array<i32>} : memref<64xf32, #tpu.memory_space<vmem>>, vector<16xf32>,
    tpu.vector_store %arg21[%swap3A_213], %select_n3A_186 {strides = array<i32>} : memref<64xf32, #tpu.memory_space<vmem>>, vector<16xf32>,
    %swap3A_215 = arith.constant 32 : index
    %swap3A_216 = tpu.vector_load %arg22[%swap3A_215] {strides = array<i32>} : memref<64xf32, #tpu.memory_space<vmem>>, vector<16xf32>,
    tpu.vector_store %arg22[%swap3A_215], %select_n3A_212 {strides = array<i32>} : memref<64xf32, #tpu.memory_space<vmem>>, vector<16xf32>,
    %add3A_217 = arith.addf %add3A_161, %select_n3A_212 : vector<16xf32>
    %get3A_218 = arith.constant 48 : index
    %get3A_219 = tpu.vector_load %arg16[%get3A_218] {strides = array<i32>} : memref<64xf32, #tpu.memory_space<vmem>>, vector<16xf32>,
    %get3A_220 = arith.constant 48 : index
    %get3A_221 = tpu.vector_load %arg17[%get3A_220] {strides = array<i32>} : memref<64xf32, #tpu.memory_space<vmem>>, vector<16xf32>,
    %get3A_222 = arith.constant 48 : index
    %get3A_223 = tpu.vector_load %arg18[%get3A_222] {strides = array<i32>} : memref<64xf32, #tpu.memory_space<vmem>>, vector<16xf32>,
    %get3A_224 = arith.constant 48 : index
    %get3A_225 = tpu.vector_load %arg19[%get3A_224] {strides = array<i32>} : memref<64xf32, #tpu.memory_space<vmem>>, vector<16xf32>,
    %get3A_226 = arith.constant 48 : index
    %get3A_227 = tpu.vector_load %arg20[%get3A_226] {strides = array<i32>} : memref<64xf32, #tpu.memory_space<vmem>>, vector<16xf32>,
    %gt3A_228 = arith.constant 0.000000e+00 : f32
    %gt3A_229 = vector.broadcast %gt3A_228 : f32 to vector<16xf32>
    %gt3A_230 = arith.cmpf ogt, %get3A_219, %gt3A_229 : vector<16xf32>
    %max3A_231 = arith.constant 1.000000e+00 : f32
    %max3A_232 = vector.broadcast %max3A_231 : f32 to vector<16xf32>
    %max3A_233 = arith.maximumf %get3A_219, %max3A_232 : vector<16xf32>
    %mul3A_234 = arith.constant 0.899999976 : f32
    %mul3A_235 = vector.broadcast %mul3A_234 : f32 to vector<16xf32>
    %mul3A_236 = arith.mulf %mul3A_235, %get3A_225 : vector<16xf32>
    %div3A_237 = arith.divf %get3A_221, %max3A_233 : vector<16xf32>
    %mul3A_238 = arith.constant 1.000000e-01 : f32
    %mul3A_239 = vector.broadcast %mul3A_238 : f32 to vector<16xf32>
    %mul3A_240 = arith.mulf %mul3A_239, %div3A_237 : vector<16xf32>
    %add3A_241 = arith.addf %mul3A_236, %mul3A_240 : vector<16xf32>
    %select_n3A_242 = arith.select %gt3A_230, %add3A_241, %get3A_225 : vector<16xi1>, vector<16xf32>
    %mul3A_243 = arith.constant 0.899999976 : f32
    %mul3A_244 = vector.broadcast %mul3A_243 : f32 to vector<16xf32>
    %mul3A_245 = arith.mulf %mul3A_244, %get3A_227 : vector<16xf32>
    %div3A_246 = arith.divf %get3A_223, %max3A_233 : vector<16xf32>
    %mul3A_247 = arith.constant 1.000000e-01 : f32
    %mul3A_248 = vector.broadcast %mul3A_247 : f32 to vector<16xf32>
    %mul3A_249 = arith.mulf %mul3A_248, %div3A_246 : vector<16xf32>
    %add3A_250 = arith.addf %mul3A_245, %mul3A_249 : vector<16xf32>
    %select_n3A_251 = arith.select %gt3A_230, %add3A_250, %get3A_227 : vector<16xi1>, vector<16xf32>
    %add3A_252 = arith.constant 9.99999997E-7 : f32
    %add3A_253 = vector.broadcast %add3A_252 : f32 to vector<16xf32>
    %add3A_254 = arith.addf %select_n3A_251, %add3A_253 : vector<16xf32>
    %div3A_255 = arith.constant 1.000000e+00 : f32
    %div3A_256 = vector.broadcast %div3A_255 : f32 to vector<16xf32>
    %div3A_257 = arith.divf %div3A_256, %add3A_254 : vector<16xf32>
    %add3A_258 = arith.constant 48 : i32
    %add3A_259 = arith.addi %mul3A_12, %add3A_258 : i32
    %iota3A_260 = tpu.iota {dimensions = array<i32: 0>} : vector<16xi32>
    %add3A_261 = vector.broadcast %add3A_259 : i32 to vector<16xi32>
    %add3A_262 = arith.addi %add3A_261, %iota3A_260 : vector<16xi32>
    %lt3A_263 = arith.constant 1000 : i32
    %lt3A_264 = vector.broadcast %lt3A_263 : i32 to vector<16xi32>
    %lt3A_265 = arith.cmpi slt, %add3A_262, %lt3A_264 : vector<16xi32>
    %jit3A_266 = arith.constant 0.000000e+00 : f32
    %broadcast_in_dim3A_267 = vector.broadcast %jit3A_266 : f32 to vector<16xf32>
    %select_n3A_268 = arith.select %lt3A_265, %div3A_257, %broadcast_in_dim3A_267 : vector<16xi1>, vector<16xf32>
    %swap3A_269 = arith.constant 48 : index
    %swap3A_270 = tpu.vector_load %arg21[%swap3A_269] {strides = array<i32>} : memref<64xf32, #tpu.memory_space<vmem>>, vector<16xf32>,
    tpu.vector_store %arg21[%swap3A_269], %select_n3A_242 {strides = array<i32>} : memref<64xf32, #tpu.memory_space<vmem>>, vector<16xf32>,
    %swap3A_271 = arith.constant 48 : index
    %swap3A_272 = tpu.vector_load %arg22[%swap3A_271] {strides = array<i32>} : memref<64xf32, #tpu.memory_space<vmem>>, vector<16xf32>,
    tpu.vector_store %arg22[%swap3A_271], %select_n3A_268 {strides = array<i32>} : memref<64xf32, #tpu.memory_space<vmem>>, vector<16xf32>,
    %add3A_273 = arith.addf %add3A_217, %select_n3A_268 : vector<16xf32>
    %reduce_sum3A = arith.constant true
    %reduce_sum3A_274 = vector.broadcast %reduce_sum3A : i1 to vector<16xi1>
    %reduce_sum3A_275 = tpu.scan <sum>, %add3A_273 masked %reduce_sum3A_274 : vector<16xf32>, vector<16xi1> -> vector<16xf32>
    %reduce_sum3A_276 = vector.extract %reduce_sum3A_275[15] : f32 from vector<16xf32>
    %broadcast_in_dim3A_277 = vector.broadcast %reduce_sum3A_276 : f32 to vector<16xf32>
    %swap3A_278 = arith.constant 0 : index
    %swap3A_279 = tpu.vector_load %arg27[%swap3A_278] {strides = array<i32>} : memref<16xf32, #tpu.memory_space<vmem>>, vector<16xf32>,
    tpu.vector_store %arg27[%swap3A_278], %broadcast_in_dim3A_277 {strides = array<i32>} : memref<16xf32, #tpu.memory_space<vmem>>, vector<16xf32>,
    "tpu.region"() ({
      %run_scoped3A = tpu.sem_alloc : memref<!tpu.dma_semaphore, #tpu.memory_space<semaphore_mem>>
      %dma_start3A_361 = tpu.memref_slice %arg32[%mul3A_12] : memref<1024xf32, #tpu.memory_space<vmem_shared>> -> memref<64xf32, #tpu.memory_space<vmem_shared>>
      %dma_start3A_362 = tpu.memref_slice %arg32[%mul3A_12] : memref<1024xf32, #tpu.memory_space<vmem_shared>> -> memref<64xf32, #tpu.memory_space<vmem_shared>>
      tpu.enqueue_dma source(%arg21 : memref<64xf32, #tpu.memory_space<vmem>>) target(%dma_start3A_362 : memref<64xf32, #tpu.memory_space<vmem_shared>>) target_semaphore(%run_scoped3A : memref<!tpu.dma_semaphore, #tpu.memory_space<semaphore_mem>>)
      %dma_wait3A_363 = tpu.memref_slice %arg32[%mul3A_12] : memref<1024xf32, #tpu.memory_space<vmem_shared>> -> memref<64xf32, #tpu.memory_space<vmem_shared>>
      %dma_wait3A_364 = tpu.memref_slice %arg32[%mul3A_12] : memref<1024xf32, #tpu.memory_space<vmem_shared>> -> memref<64xf32, #tpu.memory_space<vmem_shared>>
      tpu.wait_dma2 semaphore(%run_scoped3A : memref<!tpu.dma_semaphore, #tpu.memory_space<semaphore_mem>>) src(%arg21 : memref<64xf32, #tpu.memory_space<vmem>>) dst(%dma_wait3A_364 : memref<64xf32, #tpu.memory_space<vmem_shared>>)
      tpu.yield
    }) : () -> ()
    "tpu.region"() ({
      %run_scoped3A = tpu.sem_alloc : memref<!tpu.dma_semaphore, #tpu.memory_space<semaphore_mem>>
      %dma_start3A_361 = tpu.memref_slice %arg33[%mul3A_12] : memref<1024xf32, #tpu.memory_space<vmem_shared>> -> memref<64xf32, #tpu.memory_space<vmem_shared>>
      %dma_start3A_362 = tpu.memref_slice %arg33[%mul3A_12] : memref<1024xf32, #tpu.memory_space<vmem_shared>> -> memref<64xf32, #tpu.memory_space<vmem_shared>>
      tpu.enqueue_dma source(%arg22 : memref<64xf32, #tpu.memory_space<vmem>>) target(%dma_start3A_362 : memref<64xf32, #tpu.memory_space<vmem_shared>>) target_semaphore(%run_scoped3A : memref<!tpu.dma_semaphore, #tpu.memory_space<semaphore_mem>>)
      %dma_wait3A_363 = tpu.memref_slice %arg33[%mul3A_12] : memref<1024xf32, #tpu.memory_space<vmem_shared>> -> memref<64xf32, #tpu.memory_space<vmem_shared>>
      %dma_wait3A_364 = tpu.memref_slice %arg33[%mul3A_12] : memref<1024xf32, #tpu.memory_space<vmem_shared>> -> memref<64xf32, #tpu.memory_space<vmem_shared>>
      tpu.wait_dma2 semaphore(%run_scoped3A : memref<!tpu.dma_semaphore, #tpu.memory_space<semaphore_mem>>) src(%arg22 : memref<64xf32, #tpu.memory_space<vmem>>) dst(%dma_wait3A_364 : memref<64xf32, #tpu.memory_space<vmem_shared>>)
      tpu.yield
    }) : () -> ()
    %mul3A_280 = arith.constant 16 : i32
    %mul3A_281 = arith.muli %arg1, %mul3A_280 : i32
    "tpu.region"() ({
      %run_scoped3A = tpu.sem_alloc : memref<!tpu.dma_semaphore, #tpu.memory_space<semaphore_mem>>
      %dma_start3A_361 = tpu.memref_slice %arg34[%mul3A_281] : memref<256xf32, #tpu.memory_space<vmem_shared>> -> memref<16xf32, #tpu.memory_space<vmem_shared>>
      %dma_start3A_362 = tpu.memref_slice %arg34[%mul3A_281] : memref<256xf32, #tpu.memory_space<vmem_shared>> -> memref<16xf32, #tpu.memory_space<vmem_shared>>
      tpu.enqueue_dma source(%arg27 : memref<16xf32, #tpu.memory_space<vmem>>) target(%dma_start3A_362 : memref<16xf32, #tpu.memory_space<vmem_shared>>) target_semaphore(%run_scoped3A : memref<!tpu.dma_semaphore, #tpu.memory_space<semaphore_mem>>)
      %dma_wait3A_363 = tpu.memref_slice %arg34[%mul3A_281] : memref<256xf32, #tpu.memory_space<vmem_shared>> -> memref<16xf32, #tpu.memory_space<vmem_shared>>
      %dma_wait3A_364 = tpu.memref_slice %arg34[%mul3A_281] : memref<256xf32, #tpu.memory_space<vmem_shared>> -> memref<16xf32, #tpu.memory_space<vmem_shared>>
      tpu.wait_dma2 semaphore(%run_scoped3A : memref<!tpu.dma_semaphore, #tpu.memory_space<semaphore_mem>>) src(%arg27 : memref<16xf32, #tpu.memory_space<vmem>>) dst(%dma_wait3A_364 : memref<16xf32, #tpu.memory_space<vmem_shared>>)
      tpu.yield
    }) : () -> ()
    %barrier3A = arith.constant 0 : index
    tpu.barrier barrier_id(%barrier3A)
    tpu.enqueue_dma source(%arg32 : memref<1024xf32, #tpu.memory_space<vmem_shared>>) target(%arg23 : memref<1024xf32, #tpu.memory_space<vmem>>) target_semaphore(%arg31 : memref<!tpu.dma_semaphore, #tpu.memory_space<semaphore_mem>>)
    tpu.enqueue_dma source(%arg33 : memref<1024xf32, #tpu.memory_space<vmem_shared>>) target(%arg24 : memref<1024xf32, #tpu.memory_space<vmem>>) target_semaphore(%arg31 : memref<!tpu.dma_semaphore, #tpu.memory_space<semaphore_mem>>)
    tpu.enqueue_dma source(%arg34 : memref<256xf32, #tpu.memory_space<vmem_shared>>) target(%arg28 : memref<256xf32, #tpu.memory_space<vmem>>) target_semaphore(%arg31 : memref<!tpu.dma_semaphore, #tpu.memory_space<semaphore_mem>>)
    %dma_wait3A = tpu.memref_slice %arg2[%mul3A_0] : memref<16384xi32, #tpu.memory_space<hbm>> -> memref<1024xi32, #tpu.memory_space<hbm>>
    %dma_wait3A_282 = tpu.memref_slice %arg2[%mul3A_0] : memref<16384xi32, #tpu.memory_space<hbm>> -> memref<1024xi32, #tpu.memory_space<hbm>>
    tpu.wait_dma2 semaphore(%arg31 : memref<!tpu.dma_semaphore, #tpu.memory_space<semaphore_mem>>) src(%dma_wait3A_282 : memref<1024xi32, #tpu.memory_space<hbm>>) dst(%arg13 : memref<1024xi32, #tpu.memory_space<vmem>>)
    %dma_wait3A_283 = tpu.memref_slice %arg3[%mul3A_0] : memref<16384xf32, #tpu.memory_space<hbm>> -> memref<1024xf32, #tpu.memory_space<hbm>>
    %dma_wait3A_284 = tpu.memref_slice %arg3[%mul3A_0] : memref<16384xf32, #tpu.memory_space<hbm>> -> memref<1024xf32, #tpu.memory_space<hbm>>
    tpu.wait_dma2 semaphore(%arg31 : memref<!tpu.dma_semaphore, #tpu.memory_space<semaphore_mem>>) src(%dma_wait3A_284 : memref<1024xf32, #tpu.memory_space<hbm>>) dst(%arg14 : memref<1024xf32, #tpu.memory_space<vmem>>)
    %dma_wait3A_285 = tpu.memref_slice %arg4[%mul3A_0] : memref<16384xf32, #tpu.memory_space<hbm>> -> memref<1024xf32, #tpu.memory_space<hbm>>
    %dma_wait3A_286 = tpu.memref_slice %arg4[%mul3A_0] : memref<16384xf32, #tpu.memory_space<hbm>> -> memref<1024xf32, #tpu.memory_space<hbm>>
    tpu.wait_dma2 semaphore(%arg31 : memref<!tpu.dma_semaphore, #tpu.memory_space<semaphore_mem>>) src(%dma_wait3A_286 : memref<1024xf32, #tpu.memory_space<hbm>>) dst(%arg15 : memref<1024xf32, #tpu.memory_space<vmem>>)
    %dma_wait3A_287 = arith.constant 0 : i32
    %dma_wait3A_288 = tpu.memref_slice %arg25[%dma_wait3A_287] : memref<1024xf32, #tpu.memory_space<vmem>> -> memref<1000xf32, #tpu.memory_space<vmem>>
    %dma_wait3A_289 = arith.constant 0 : i32
    %dma_wait3A_290 = tpu.memref_slice %arg25[%dma_wait3A_289] : memref<1024xf32, #tpu.memory_space<vmem>> -> memref<1000xf32, #tpu.memory_space<vmem>>
    tpu.wait_dma2 semaphore(%arg31 : memref<!tpu.dma_semaphore, #tpu.memory_space<semaphore_mem>>) src(%arg10 : memref<1000xf32, #tpu.memory_space<hbm>>) dst(%dma_wait3A_290 : memref<1000xf32, #tpu.memory_space<vmem>>)
    tpu.wait_dma2 semaphore(%arg31 : memref<!tpu.dma_semaphore, #tpu.memory_space<semaphore_mem>>) src(%arg11 : memref<16xf32, #tpu.memory_space<hbm>>) dst(%arg26 : memref<16xf32, #tpu.memory_space<vmem>>)
    tpu.wait_dma2 semaphore(%arg31 : memref<!tpu.dma_semaphore, #tpu.memory_space<semaphore_mem>>) src(%arg32 : memref<1024xf32, #tpu.memory_space<vmem_shared>>) dst(%arg23 : memref<1024xf32, #tpu.memory_space<vmem>>)
    tpu.wait_dma2 semaphore(%arg31 : memref<!tpu.dma_semaphore, #tpu.memory_space<semaphore_mem>>) src(%arg33 : memref<1024xf32, #tpu.memory_space<vmem_shared>>) dst(%arg24 : memref<1024xf32, #tpu.memory_space<vmem>>)
    tpu.wait_dma2 semaphore(%arg31 : memref<!tpu.dma_semaphore, #tpu.memory_space<semaphore_mem>>) src(%arg34 : memref<256xf32, #tpu.memory_space<vmem_shared>>) dst(%arg28 : memref<256xf32, #tpu.memory_space<vmem>>)
    %get3A_291 = arith.constant 0 : index
    %get3A_292 = tpu.vector_load %arg28[%get3A_291] {strides = array<i32>} : memref<256xf32, #tpu.memory_space<vmem>>, vector<16xf32>,
    %add3A_293 = arith.addf %broadcast_in_dim3A_10, %get3A_292 : vector<16xf32>
    %get3A_294 = arith.constant 16 : index
    %get3A_295 = tpu.vector_load %arg28[%get3A_294] {strides = array<i32>} : memref<256xf32, #tpu.memory_space<vmem>>, vector<16xf32>,
    %add3A_296 = arith.addf %add3A_293, %get3A_295 : vector<16xf32>
    %get3A_297 = arith.constant 32 : index
    %get3A_298 = tpu.vector_load %arg28[%get3A_297] {strides = array<i32>} : memref<256xf32, #tpu.memory_space<vmem>>, vector<16xf32>,
    %add3A_299 = arith.addf %add3A_296, %get3A_298 : vector<16xf32>
    %get3A_300 = arith.constant 48 : index
    %get3A_301 = tpu.vector_load %arg28[%get3A_300] {strides = array<i32>} : memref<256xf32, #tpu.memory_space<vmem>>, vector<16xf32>,
    %add3A_302 = arith.addf %add3A_299, %get3A_301 : vector<16xf32>
    %get3A_303 = arith.constant 64 : index
    %get3A_304 = tpu.vector_load %arg28[%get3A_303] {strides = array<i32>} : memref<256xf32, #tpu.memory_space<vmem>>, vector<16xf32>,
    %add3A_305 = arith.addf %add3A_302, %get3A_304 : vector<16xf32>
    %get3A_306 = arith.constant 80 : index
    %get3A_307 = tpu.vector_load %arg28[%get3A_306] {strides = array<i32>} : memref<256xf32, #tpu.memory_space<vmem>>, vector<16xf32>,
    %add3A_308 = arith.addf %add3A_305, %get3A_307 : vector<16xf32>
    %get3A_309 = arith.constant 96 : index
    %get3A_310 = tpu.vector_load %arg28[%get3A_309] {strides = array<i32>} : memref<256xf32, #tpu.memory_space<vmem>>, vector<16xf32>,
    %add3A_311 = arith.addf %add3A_308, %get3A_310 : vector<16xf32>
    %get3A_312 = arith.constant 112 : index
    %get3A_313 = tpu.vector_load %arg28[%get3A_312] {strides = array<i32>} : memref<256xf32, #tpu.memory_space<vmem>>, vector<16xf32>,
    %add3A_314 = arith.addf %add3A_311, %get3A_313 : vector<16xf32>
    %get3A_315 = arith.constant 128 : index
    %get3A_316 = tpu.vector_load %arg28[%get3A_315] {strides = array<i32>} : memref<256xf32, #tpu.memory_space<vmem>>, vector<16xf32>,
    %add3A_317 = arith.addf %add3A_314, %get3A_316 : vector<16xf32>
    %get3A_318 = arith.constant 144 : index
    %get3A_319 = tpu.vector_load %arg28[%get3A_318] {strides = array<i32>} : memref<256xf32, #tpu.memory_space<vmem>>, vector<16xf32>,
    %add3A_320 = arith.addf %add3A_317, %get3A_319 : vector<16xf32>
    %get3A_321 = arith.constant 160 : index
    %get3A_322 = tpu.vector_load %arg28[%get3A_321] {strides = array<i32>} : memref<256xf32, #tpu.memory_space<vmem>>, vector<16xf32>,
    %add3A_323 = arith.addf %add3A_320, %get3A_322 : vector<16xf32>
    %get3A_324 = arith.constant 176 : index
    %get3A_325 = tpu.vector_load %arg28[%get3A_324] {strides = array<i32>} : memref<256xf32, #tpu.memory_space<vmem>>, vector<16xf32>,
    %add3A_326 = arith.addf %add3A_323, %get3A_325 : vector<16xf32>
    %get3A_327 = arith.constant 192 : index
    %get3A_328 = tpu.vector_load %arg28[%get3A_327] {strides = array<i32>} : memref<256xf32, #tpu.memory_space<vmem>>, vector<16xf32>,
    %add3A_329 = arith.addf %add3A_326, %get3A_328 : vector<16xf32>
    %get3A_330 = arith.constant 208 : index
    %get3A_331 = tpu.vector_load %arg28[%get3A_330] {strides = array<i32>} : memref<256xf32, #tpu.memory_space<vmem>>, vector<16xf32>,
    %add3A_332 = arith.addf %add3A_329, %get3A_331 : vector<16xf32>
    %get3A_333 = arith.constant 224 : index
    %get3A_334 = tpu.vector_load %arg28[%get3A_333] {strides = array<i32>} : memref<256xf32, #tpu.memory_space<vmem>>, vector<16xf32>,
    %add3A_335 = arith.addf %add3A_332, %get3A_334 : vector<16xf32>
    %get3A_336 = arith.constant 240 : index
    %get3A_337 = tpu.vector_load %arg28[%get3A_336] {strides = array<i32>} : memref<256xf32, #tpu.memory_space<vmem>>, vector<16xf32>,
    %add3A_338 = arith.addf %add3A_335, %get3A_337 : vector<16xf32>
    %div3A_339 = arith.constant 1.000000e+00 : f32
    %div3A_340 = vector.broadcast %div3A_339 : f32 to vector<16xf32>
    %div3A_341 = arith.divf %div3A_340, %add3A_338 : vector<16xf32>
    %get3A_342 = arith.constant 0 : index
    %get3A_343 = tpu.vector_load %arg26[%get3A_342] {strides = array<i32>} : memref<16xf32, #tpu.memory_space<vmem>>, vector<16xf32>,
    %scan3A = arith.constant 0 : i32
    %scan3A_344 = arith.constant 64 : i32
    %scan3A_345 = arith.addi %scan3A, %scan3A_344 : i32
    %scan3A_346 = arith.constant 1 : i32
    %scan3A_347 = scf.for %scan3A_361 = %scan3A to %scan3A_345 step %scan3A_346 iter_args(%scan3A_362 = %broadcast_in_dim3A_10) -> (vector<16xf32>)  : i32 {
      %mul3A_363 = arith.constant 16 : i32
      %mul3A_364 = arith.muli %scan3A_361, %mul3A_363 : i32
      %get3A_365 = arith.index_cast %mul3A_364 : i32 to index
      %get3A_366 = tpu.vector_load %arg13[%get3A_365] {strides = array<i32>} : memref<1024xi32, #tpu.memory_space<vmem>>, vector<16xi32>,
      %get3A_367 = arith.index_cast %mul3A_364 : i32 to index
      %get3A_368 = tpu.vector_load %arg14[%get3A_367] {strides = array<i32>} : memref<1024xf32, #tpu.memory_space<vmem>>, vector<16xf32>,
      %get3A_369 = arith.index_cast %mul3A_364 : i32 to index
      %get3A_370 = tpu.vector_load %arg15[%get3A_369] {strides = array<i32>} : memref<1024xf32, #tpu.memory_space<vmem>>, vector<16xf32>,
      %gather3A = tpu.vector_load_idx %arg23[%get3A_366] : memref<1024xf32, #tpu.memory_space<vmem>>[vector<16xi32>], vector<16xf32>,
      %gather3A_371 = tpu.vector_load_idx %arg24[%get3A_366] : memref<1024xf32, #tpu.memory_space<vmem>>[vector<16xi32>], vector<16xf32>,
      %gather3A_372 = tpu.vector_load_idx %arg25[%get3A_366] : memref<1024xf32, #tpu.memory_space<vmem>>[vector<16xi32>], vector<16xf32>,
      %mul3A_373 = arith.constant 2.000000e+00 : f32
      %mul3A_374 = vector.broadcast %mul3A_373 : f32 to vector<16xf32>
      %mul3A_375 = arith.mulf %mul3A_374, %get3A_368 : vector<16xf32>
      %add3A_376 = arith.constant 9.99999997E-7 : f32
      %add3A_377 = vector.broadcast %add3A_376 : f32 to vector<16xf32>
      %add3A_378 = arith.addf %gather3A, %add3A_377 : vector<16xf32>
      %div3A_379 = arith.divf %mul3A_375, %add3A_378 : vector<16xf32>
      %mul3A_380 = arith.mulf %div3A_379, %get3A_370 : vector<16xf32>
      %exp3A = math.exp %mul3A_380 : vector<16xf32>
      %mul3A_381 = arith.mulf %gather3A_371, %div3A_341 : vector<16xf32>
      %lt3A_382 = arith.constant 2.000000e-01 : f32
      %lt3A_383 = vector.broadcast %lt3A_382 : f32 to vector<16xf32>
      %lt3A_384 = arith.cmpf olt, %get3A_368, %lt3A_383 : vector<16xf32>
      %ge3A = arith.cmpf oge, %get3A_368, %get3A_343 : vector<16xf32>
      %and3A_385 = arith.andi %lt3A_384, %ge3A : vector<16xi1>
      %lt3A_386 = arith.constant 100 : i32
      %lt3A_387 = vector.broadcast %lt3A_386 : i32 to vector<16xi32>
      %lt3A_388 = arith.cmpi slt, %get3A_366, %lt3A_387 : vector<16xi32>
      %and3A_389 = arith.andi %and3A_385, %lt3A_388 : vector<16xi1>
      %lt3A_390 = arith.cmpf olt, %get3A_368, %get3A_343 : vector<16xf32>
      %jit3A_391 = arith.constant 1.000000e-01 : f32
      %jit3A_392 = arith.constant 1.000000e+00 : f32
      %broadcast_in_dim3A_393 = vector.broadcast %jit3A_391 : f32 to vector<16xf32>
      %broadcast_in_dim3A_394 = vector.broadcast %jit3A_392 : f32 to vector<16xf32>
      %select_n3A_395 = arith.select %and3A_389, %broadcast_in_dim3A_393, %broadcast_in_dim3A_394 : vector<16xi1>, vector<16xf32>
      %jit3A_396 = arith.constant 0.000000e+00 : f32
      %broadcast_in_dim3A_397 = vector.broadcast %jit3A_396 : f32 to vector<16xf32>
      %select_n3A_398 = arith.select %lt3A_390, %broadcast_in_dim3A_397, %select_n3A_395 : vector<16xi1>, vector<16xf32>
      %add3A_399 = arith.constant 9.99999997E-7 : f32
      %add3A_400 = vector.broadcast %add3A_399 : f32 to vector<16xf32>
      %add3A_401 = arith.addf %select_n3A_398, %add3A_400 : vector<16xf32>
      %add3A_402 = arith.constant 9.99999997E-7 : f32
      %add3A_403 = vector.broadcast %add3A_402 : f32 to vector<16xf32>
      %add3A_404 = arith.addf %mul3A_381, %add3A_403 : vector<16xf32>
      %mul3A_405 = arith.mulf %add3A_401, %add3A_404 : vector<16xf32>
      %add3A_406 = arith.constant 9.99999997E-7 : f32
      %add3A_407 = vector.broadcast %add3A_406 : f32 to vector<16xf32>
      %add3A_408 = arith.addf %gather3A_372, %add3A_407 : vector<16xf32>
      %mul3A_409 = arith.mulf %mul3A_405, %add3A_408 : vector<16xf32>
      %mul3A_410 = arith.mulf %mul3A_409, %exp3A : vector<16xf32>
      %mul3A_411 = arith.mulf %mul3A_410, %get3A_368 : vector<16xf32>
      %add3A_412 = arith.addf %scan3A_362, %mul3A_411 : vector<16xf32>
      scf.yield %add3A_412 : vector<16xf32>
    }
    %scan3A_348 = arith.constant 64 : i32
    %swap3A_349 = arith.constant 0 : index
    %swap3A_350 = tpu.vector_load %arg27[%swap3A_349] {strides = array<i32>} : memref<16xf32, #tpu.memory_space<vmem>>, vector<16xf32>,
    tpu.vector_store %arg27[%swap3A_349], %scan3A_347 {strides = array<i32>} : memref<16xf32, #tpu.memory_space<vmem>>, vector<16xf32>,
    %mul3A_351 = arith.constant 16 : i32
    %mul3A_352 = arith.muli %arg1, %mul3A_351 : i32
    "tpu.region"() ({
      %run_scoped3A = tpu.sem_alloc : memref<!tpu.dma_semaphore, #tpu.memory_space<semaphore_mem>>
      %dma_start3A_361 = tpu.memref_slice %arg35[%mul3A_352] : memref<256xf32, #tpu.memory_space<vmem_shared>> -> memref<16xf32, #tpu.memory_space<vmem_shared>>
      %dma_start3A_362 = tpu.memref_slice %arg35[%mul3A_352] : memref<256xf32, #tpu.memory_space<vmem_shared>> -> memref<16xf32, #tpu.memory_space<vmem_shared>>
      tpu.enqueue_dma source(%arg27 : memref<16xf32, #tpu.memory_space<vmem>>) target(%dma_start3A_362 : memref<16xf32, #tpu.memory_space<vmem_shared>>) target_semaphore(%run_scoped3A : memref<!tpu.dma_semaphore, #tpu.memory_space<semaphore_mem>>)
      %dma_wait3A_363 = tpu.memref_slice %arg35[%mul3A_352] : memref<256xf32, #tpu.memory_space<vmem_shared>> -> memref<16xf32, #tpu.memory_space<vmem_shared>>
      %dma_wait3A_364 = tpu.memref_slice %arg35[%mul3A_352] : memref<256xf32, #tpu.memory_space<vmem_shared>> -> memref<16xf32, #tpu.memory_space<vmem_shared>>
      tpu.wait_dma2 semaphore(%run_scoped3A : memref<!tpu.dma_semaphore, #tpu.memory_space<semaphore_mem>>) src(%arg27 : memref<16xf32, #tpu.memory_space<vmem>>) dst(%dma_wait3A_364 : memref<16xf32, #tpu.memory_space<vmem_shared>>)
      tpu.yield
    }) : () -> ()
    %barrier3A_353 = arith.constant 0 : index
    tpu.barrier barrier_id(%barrier3A_353)
    %eq3A_354 = arith.constant 0 : i32
    %eq3A_355 = arith.cmpi eq, %arg0, %eq3A_354 : i32
    %eq3A_356 = arith.constant 0 : i32
    %eq3A_357 = arith.cmpi eq, %arg1, %eq3A_356 : i32
    %and3A = arith.andi %eq3A_355, %eq3A_357 : i1
    %convert_element_type3A_358 = arith.extui %and3A : i1 to i32
    %cond3A_359 = arith.constant 0 : i32
    %cond3A_360 = arith.cmpi ne, %convert_element_type3A_358, %cond3A_359 : i32
    scf.if %cond3A_360 {
      "tpu.region"() ({
        %run_scoped3A = tpu.sem_alloc : memref<!tpu.dma_semaphore, #tpu.memory_space<semaphore_mem>>
        tpu.enqueue_dma source(%arg35 : memref<256xf32, #tpu.memory_space<vmem_shared>>) target(%arg29 : memref<256xf32, #tpu.memory_space<vmem>>) target_semaphore(%run_scoped3A : memref<!tpu.dma_semaphore, #tpu.memory_space<semaphore_mem>>)
        tpu.wait_dma2 semaphore(%run_scoped3A : memref<!tpu.dma_semaphore, #tpu.memory_space<semaphore_mem>>) src(%arg35 : memref<256xf32, #tpu.memory_space<vmem_shared>>) dst(%arg29 : memref<256xf32, #tpu.memory_space<vmem>>)
        tpu.yield
      }) : () -> ()
      %get3A_361 = arith.constant 0 : index
      %get3A_362 = tpu.vector_load %arg29[%get3A_361] {strides = array<i32>} : memref<256xf32, #tpu.memory_space<vmem>>, vector<16xf32>,
      %add3A_363 = arith.addf %broadcast_in_dim3A_10, %get3A_362 : vector<16xf32>
      %get3A_364 = arith.constant 16 : index
      %get3A_365 = tpu.vector_load %arg29[%get3A_364] {strides = array<i32>} : memref<256xf32, #tpu.memory_space<vmem>>, vector<16xf32>,
      %add3A_366 = arith.addf %add3A_363, %get3A_365 : vector<16xf32>
      %get3A_367 = arith.constant 32 : index
      %get3A_368 = tpu.vector_load %arg29[%get3A_367] {strides = array<i32>} : memref<256xf32, #tpu.memory_space<vmem>>, vector<16xf32>,
      %add3A_369 = arith.addf %add3A_366, %get3A_368 : vector<16xf32>
      %get3A_370 = arith.constant 48 : index
      %get3A_371 = tpu.vector_load %arg29[%get3A_370] {strides = array<i32>} : memref<256xf32, #tpu.memory_space<vmem>>, vector<16xf32>,
      %add3A_372 = arith.addf %add3A_369, %get3A_371 : vector<16xf32>
      %get3A_373 = arith.constant 64 : index
      %get3A_374 = tpu.vector_load %arg29[%get3A_373] {strides = array<i32>} : memref<256xf32, #tpu.memory_space<vmem>>, vector<16xf32>,
      %add3A_375 = arith.addf %add3A_372, %get3A_374 : vector<16xf32>
      %get3A_376 = arith.constant 80 : index
      %get3A_377 = tpu.vector_load %arg29[%get3A_376] {strides = array<i32>} : memref<256xf32, #tpu.memory_space<vmem>>, vector<16xf32>,
      %add3A_378 = arith.addf %add3A_375, %get3A_377 : vector<16xf32>
      %get3A_379 = arith.constant 96 : index
      %get3A_380 = tpu.vector_load %arg29[%get3A_379] {strides = array<i32>} : memref<256xf32, #tpu.memory_space<vmem>>, vector<16xf32>,
      %add3A_381 = arith.addf %add3A_378, %get3A_380 : vector<16xf32>
      %get3A_382 = arith.constant 112 : index
      %get3A_383 = tpu.vector_load %arg29[%get3A_382] {strides = array<i32>} : memref<256xf32, #tpu.memory_space<vmem>>, vector<16xf32>,
      %add3A_384 = arith.addf %add3A_381, %get3A_383 : vector<16xf32>
      %get3A_385 = arith.constant 128 : index
      %get3A_386 = tpu.vector_load %arg29[%get3A_385] {strides = array<i32>} : memref<256xf32, #tpu.memory_space<vmem>>, vector<16xf32>,
      %add3A_387 = arith.addf %add3A_384, %get3A_386 : vector<16xf32>
      %get3A_388 = arith.constant 144 : index
      %get3A_389 = tpu.vector_load %arg29[%get3A_388] {strides = array<i32>} : memref<256xf32, #tpu.memory_space<vmem>>, vector<16xf32>,
      %add3A_390 = arith.addf %add3A_387, %get3A_389 : vector<16xf32>
      %get3A_391 = arith.constant 160 : index
      %get3A_392 = tpu.vector_load %arg29[%get3A_391] {strides = array<i32>} : memref<256xf32, #tpu.memory_space<vmem>>, vector<16xf32>,
      %add3A_393 = arith.addf %add3A_390, %get3A_392 : vector<16xf32>
      %get3A_394 = arith.constant 176 : index
      %get3A_395 = tpu.vector_load %arg29[%get3A_394] {strides = array<i32>} : memref<256xf32, #tpu.memory_space<vmem>>, vector<16xf32>,
      %add3A_396 = arith.addf %add3A_393, %get3A_395 : vector<16xf32>
      %get3A_397 = arith.constant 192 : index
      %get3A_398 = tpu.vector_load %arg29[%get3A_397] {strides = array<i32>} : memref<256xf32, #tpu.memory_space<vmem>>, vector<16xf32>,
      %add3A_399 = arith.addf %add3A_396, %get3A_398 : vector<16xf32>
      %get3A_400 = arith.constant 208 : index
      %get3A_401 = tpu.vector_load %arg29[%get3A_400] {strides = array<i32>} : memref<256xf32, #tpu.memory_space<vmem>>, vector<16xf32>,
      %add3A_402 = arith.addf %add3A_399, %get3A_401 : vector<16xf32>
      %get3A_403 = arith.constant 224 : index
      %get3A_404 = tpu.vector_load %arg29[%get3A_403] {strides = array<i32>} : memref<256xf32, #tpu.memory_space<vmem>>, vector<16xf32>,
      %add3A_405 = arith.addf %add3A_402, %get3A_404 : vector<16xf32>
      %get3A_406 = arith.constant 240 : index
      %get3A_407 = tpu.vector_load %arg29[%get3A_406] {strides = array<i32>} : memref<256xf32, #tpu.memory_space<vmem>>, vector<16xf32>,
      %add3A_408 = arith.addf %add3A_405, %get3A_407 : vector<16xf32>
      %reduce_sum3A_409 = arith.constant true
      %reduce_sum3A_410 = vector.broadcast %reduce_sum3A_409 : i1 to vector<16xi1>
      %reduce_sum3A_411 = tpu.scan <sum>, %add3A_408 masked %reduce_sum3A_410 : vector<16xf32>, vector<16xi1> -> vector<16xf32>
      %reduce_sum3A_412 = vector.extract %reduce_sum3A_411[15] : f32 from vector<16xf32>
      %mul3A_413 = arith.constant 6.10351563E-5 : f32
      %mul3A_414 = arith.mulf %reduce_sum3A_412, %mul3A_413 : f32
      %broadcast_in_dim3A_415 = vector.broadcast %mul3A_414 : f32 to vector<16xf32>
      %swap3A_416 = arith.constant 0 : index
      %swap3A_417 = tpu.vector_load %arg30[%swap3A_416] {strides = array<i32>} : memref<16xf32, #tpu.memory_space<vmem>>, vector<16xf32>,
      tpu.vector_store %arg30[%swap3A_416], %broadcast_in_dim3A_415 {strides = array<i32>} : memref<16xf32, #tpu.memory_space<vmem>>, vector<16xf32>,
      "tpu.region"() ({
        %run_scoped3A = tpu.sem_alloc : memref<!tpu.dma_semaphore, #tpu.memory_space<semaphore_mem>>
        tpu.enqueue_dma source(%arg30 : memref<16xf32, #tpu.memory_space<vmem>>) target(%arg12 : memref<16xf32, #tpu.memory_space<hbm>>) target_semaphore(%run_scoped3A : memref<!tpu.dma_semaphore, #tpu.memory_space<semaphore_mem>>)
        tpu.wait_dma2 semaphore(%run_scoped3A : memref<!tpu.dma_semaphore, #tpu.memory_space<semaphore_mem>>) src(%arg30 : memref<16xf32, #tpu.memory_space<vmem>>) dst(%arg12 : memref<16xf32, #tpu.memory_space<hbm>>)
        tpu.yield
      }) : () -> ()
    } else {
    }
    return
  }
}

module attributes {stable_mosaic.version = 14 : i64} {
  func.func @_tc_stats_body(%arg0: i32, %arg1: memref<1024x1000xf32, #tpu.memory_space<vmem>>, %arg2: memref<1024x1000xf32, #tpu.memory_space<vmem>>, %arg3: memref<2048x1xi32, #tpu.memory_space<vmem>>, %arg4: memref<2048xf32, #tpu.memory_space<vmem>>, %arg5: memref<2048xf32, #tpu.memory_space<vmem>>, %arg6: memref<1000xf32, #tpu.memory_space<vmem>>, %arg7: memref<1000xf32, #tpu.memory_space<vmem>>, %arg8: memref<1000xf32, #tpu.memory_space<vmem>>) attributes {dimension_semantics = [#tpu.dimension_semantics<arbitrary>], iteration_bounds = array<i64: 8>, scalar_prefetch = 0 : i64, scratch_operands = 0 : i64, tpu.core_type = #tpu.core_type<tc>, window_params = [{transform_indices = @transform_0, window_bounds = array<i64: 1024, 1000>}, {transform_indices = @transform_1, window_bounds = array<i64: 1024, 1000>}, {transform_indices = @transform_2, window_bounds = array<i64: 2048, 1>}, {transform_indices = @transform_3, window_bounds = array<i64: 2048>}, {transform_indices = @transform_4, window_bounds = array<i64: 2048>}, {pipeline_mode = #tpu.pipeline_mode<synchronous>, transform_indices = @transform_5, window_bounds = array<i64: 1000>}, {pipeline_mode = #tpu.pipeline_mode<synchronous>, transform_indices = @transform_6, window_bounds = array<i64: 1000>}, {pipeline_mode = #tpu.pipeline_mode<synchronous>, transform_indices = @transform_7, window_bounds = array<i64: 1000>}]} {
    %get3A = arith.constant 0 : index
    %get3A_0 = arith.constant 0 : index
    %get3A_1 = vector.load %arg1[%get3A, %get3A_0] : memref<1024x1000xf32, #tpu.memory_space<vmem>>, vector<1024x1000xf32>
    %get3A_2 = arith.constant 0 : index
    %get3A_3 = arith.constant 0 : index
    %get3A_4 = vector.load %arg3[%get3A_2, %get3A_3] : memref<2048x1xi32, #tpu.memory_space<vmem>>, vector<1024x1xi32>
    %reduce_max3A = arith.constant dense<0xFF800000> : vector<1024xf32>
    %reduce_max3A_5 = vector.multi_reduction <maximumf>, %get3A_1, %reduce_max3A [1] : vector<1024x1000xf32> to vector<1024xf32>
    %broadcast_in_dim3A = vector.shape_cast %reduce_max3A_5 : vector<1024xf32> to vector<1024x1xf32>
    %sub3A = vector.broadcast %broadcast_in_dim3A : vector<1024x1xf32> to vector<1024x1000xf32>
    %sub3A_6 = arith.subf %get3A_1, %sub3A : vector<1024x1000xf32>
    %exp3A = math.exp %sub3A_6 : vector<1024x1000xf32>
    %reduce_sum3A = arith.constant dense<0.000000e+00> : vector<1024xf32>
    %reduce_sum3A_7 = vector.multi_reduction <add>, %exp3A, %reduce_sum3A [1] : vector<1024x1000xf32> to vector<1024xf32>
    %broadcast_in_dim3A_8 = vector.shape_cast %reduce_sum3A_7 : vector<1024xf32> to vector<1024x1xf32>
    %mul3A = arith.mulf %exp3A, %get3A_1 : vector<1024x1000xf32>
    %reduce_sum3A_9 = arith.constant dense<0.000000e+00> : vector<1024xf32>
    %reduce_sum3A_10 = vector.multi_reduction <add>, %mul3A, %reduce_sum3A_9 [1] : vector<1024x1000xf32> to vector<1024xf32>
    %broadcast_in_dim3A_11 = vector.shape_cast %reduce_sum3A_10 : vector<1024xf32> to vector<1024x1xf32>
    %iota3A = tpu.iota {dimensions = array<i32: 1>} : vector<1024x1000xi32>
    %eq3A = vector.broadcast %get3A_4 : vector<1024x1xi32> to vector<1024x1000xi32>
    %eq3A_12 = arith.cmpi eq, %iota3A, %eq3A : vector<1024x1000xi32>
    %jit3A = arith.constant 1.000000e+00 : f32
    %jit3A_13 = arith.constant 0.000000e+00 : f32
    %broadcast_in_dim3A_14 = vector.broadcast %jit3A : f32 to vector<1024x1000xf32>
    %broadcast_in_dim3A_15 = vector.broadcast %jit3A_13 : f32 to vector<1024x1000xf32>
    %select_n3A = arith.select %eq3A_12, %broadcast_in_dim3A_14, %broadcast_in_dim3A_15 : vector<1024x1000xi1>, vector<1024x1000xf32>
    %mul3A_16 = arith.mulf %select_n3A, %exp3A : vector<1024x1000xf32>
    %reduce_sum3A_17 = arith.constant dense<0.000000e+00> : vector<1024xf32>
    %reduce_sum3A_18 = vector.multi_reduction <add>, %mul3A_16, %reduce_sum3A_17 [1] : vector<1024x1000xf32> to vector<1024xf32>
    %broadcast_in_dim3A_19 = vector.shape_cast %reduce_sum3A_18 : vector<1024xf32> to vector<1024x1xf32>
    %div3A = arith.divf %broadcast_in_dim3A_19, %broadcast_in_dim3A_8 : vector<1024x1xf32>
    %add3A = arith.constant 9.99999997E-7 : f32
    %add3A_20 = vector.broadcast %add3A : f32 to vector<1024x1xf32>
    %add3A_21 = arith.addf %div3A, %add3A_20 : vector<1024x1xf32>
    %log3A = math.log %add3A_21 : vector<1024x1xf32>
    %neg3A = arith.constant 0.000000e+00 : f32
    %neg3A_22 = vector.broadcast %neg3A : f32 to vector<1024x1xf32>
    %neg3A_23 = arith.subf %neg3A_22, %log3A : vector<1024x1xf32>
    %log3A_24 = math.log %broadcast_in_dim3A_8 : vector<1024x1xf32>
    %add3A_25 = arith.addf %broadcast_in_dim3A, %log3A_24 : vector<1024x1xf32>
    %div3A_26 = arith.divf %broadcast_in_dim3A_11, %broadcast_in_dim3A_8 : vector<1024x1xf32>
    %sub3A_27 = arith.subf %add3A_25, %div3A_26 : vector<1024x1xf32>
    %sub3A_28 = arith.constant 1.000000e+00 : f32
    %sub3A_29 = vector.broadcast %sub3A_28 : f32 to vector<1024x1xf32>
    %sub3A_30 = arith.subf %sub3A_29, %div3A : vector<1024x1xf32>
    %log3A_31 = math.log %sub3A_30 : vector<1024x1xf32>
    %get3A_32 = arith.constant 0 : index
    %get3A_33 = arith.constant 0 : index
    %get3A_34 = vector.load %arg2[%get3A_32, %get3A_33] : memref<1024x1000xf32, #tpu.memory_space<vmem>>, vector<1024x1000xf32>
    %get3A_35 = arith.constant 1024 : index
    %get3A_36 = arith.constant 0 : index
    %get3A_37 = vector.load %arg3[%get3A_35, %get3A_36] : memref<2048x1xi32, #tpu.memory_space<vmem>>, vector<1024x1xi32>
    %reduce_max3A_38 = arith.constant dense<0xFF800000> : vector<1024xf32>
    %reduce_max3A_39 = vector.multi_reduction <maximumf>, %get3A_34, %reduce_max3A_38 [1] : vector<1024x1000xf32> to vector<1024xf32>
    %broadcast_in_dim3A_40 = vector.shape_cast %reduce_max3A_39 : vector<1024xf32> to vector<1024x1xf32>
    %sub3A_41 = vector.broadcast %broadcast_in_dim3A_40 : vector<1024x1xf32> to vector<1024x1000xf32>
    %sub3A_42 = arith.subf %get3A_34, %sub3A_41 : vector<1024x1000xf32>
    %exp3A_43 = math.exp %sub3A_42 : vector<1024x1000xf32>
    %reduce_sum3A_44 = arith.constant dense<0.000000e+00> : vector<1024xf32>
    %reduce_sum3A_45 = vector.multi_reduction <add>, %exp3A_43, %reduce_sum3A_44 [1] : vector<1024x1000xf32> to vector<1024xf32>
    %broadcast_in_dim3A_46 = vector.shape_cast %reduce_sum3A_45 : vector<1024xf32> to vector<1024x1xf32>
    %mul3A_47 = arith.mulf %exp3A_43, %get3A_34 : vector<1024x1000xf32>
    %reduce_sum3A_48 = arith.constant dense<0.000000e+00> : vector<1024xf32>
    %reduce_sum3A_49 = vector.multi_reduction <add>, %mul3A_47, %reduce_sum3A_48 [1] : vector<1024x1000xf32> to vector<1024xf32>
    %broadcast_in_dim3A_50 = vector.shape_cast %reduce_sum3A_49 : vector<1024xf32> to vector<1024x1xf32>
    %iota3A_51 = tpu.iota {dimensions = array<i32: 1>} : vector<1024x1000xi32>
    %eq3A_52 = vector.broadcast %get3A_37 : vector<1024x1xi32> to vector<1024x1000xi32>
    %eq3A_53 = arith.cmpi eq, %iota3A_51, %eq3A_52 : vector<1024x1000xi32>
    %jit3A_54 = arith.constant 1.000000e+00 : f32
    %jit3A_55 = arith.constant 0.000000e+00 : f32
    %broadcast_in_dim3A_56 = vector.broadcast %jit3A_54 : f32 to vector<1024x1000xf32>
    %broadcast_in_dim3A_57 = vector.broadcast %jit3A_55 : f32 to vector<1024x1000xf32>
    %select_n3A_58 = arith.select %eq3A_53, %broadcast_in_dim3A_56, %broadcast_in_dim3A_57 : vector<1024x1000xi1>, vector<1024x1000xf32>
    %mul3A_59 = arith.mulf %select_n3A_58, %exp3A_43 : vector<1024x1000xf32>
    %reduce_sum3A_60 = arith.constant dense<0.000000e+00> : vector<1024xf32>
    %reduce_sum3A_61 = vector.multi_reduction <add>, %mul3A_59, %reduce_sum3A_60 [1] : vector<1024x1000xf32> to vector<1024xf32>
    %broadcast_in_dim3A_62 = vector.shape_cast %reduce_sum3A_61 : vector<1024xf32> to vector<1024x1xf32>
    %div3A_63 = arith.divf %broadcast_in_dim3A_62, %broadcast_in_dim3A_46 : vector<1024x1xf32>
    %add3A_64 = arith.constant 9.99999997E-7 : f32
    %add3A_65 = vector.broadcast %add3A_64 : f32 to vector<1024x1xf32>
    %add3A_66 = arith.addf %div3A_63, %add3A_65 : vector<1024x1xf32>
    %log3A_67 = math.log %add3A_66 : vector<1024x1xf32>
    %neg3A_68 = arith.constant 0.000000e+00 : f32
    %neg3A_69 = vector.broadcast %neg3A_68 : f32 to vector<1024x1xf32>
    %neg3A_70 = arith.subf %neg3A_69, %log3A_67 : vector<1024x1xf32>
    %log3A_71 = math.log %broadcast_in_dim3A_46 : vector<1024x1xf32>
    %add3A_72 = arith.addf %broadcast_in_dim3A_40, %log3A_71 : vector<1024x1xf32>
    %div3A_73 = arith.divf %broadcast_in_dim3A_50, %broadcast_in_dim3A_46 : vector<1024x1xf32>
    %sub3A_74 = arith.subf %add3A_72, %div3A_73 : vector<1024x1xf32>
    %sub3A_75 = arith.constant 1.000000e+00 : f32
    %sub3A_76 = vector.broadcast %sub3A_75 : f32 to vector<1024x1xf32>
    %sub3A_77 = arith.subf %sub3A_76, %div3A_63 : vector<1024x1xf32>
    %log3A_78 = math.log %sub3A_77 : vector<1024x1xf32>
    %concatenate3A = tpu.concatenate %neg3A_23, %neg3A_70 in 0 : vector<1024x1xf32>, vector<1024x1xf32> -> vector<2048x1xf32>
    %reshape3A = vector.shape_cast %concatenate3A : vector<2048x1xf32> to vector<2048xf32>
    %swap3A = arith.constant 0 : index
    %swap3A_79 = vector.load %arg4[%swap3A] : memref<2048xf32, #tpu.memory_space<vmem>>, vector<2048xf32>
    tpu.vector_store %arg4[%swap3A], %reshape3A {strides = array<i32>} : memref<2048xf32, #tpu.memory_space<vmem>>, vector<2048xf32>,
    %concatenate3A_80 = tpu.concatenate %log3A_31, %log3A_78 in 0 : vector<1024x1xf32>, vector<1024x1xf32> -> vector<2048x1xf32>
    %reshape3A_81 = vector.shape_cast %concatenate3A_80 : vector<2048x1xf32> to vector<2048xf32>
    %swap3A_82 = arith.constant 0 : index
    %swap3A_83 = vector.load %arg5[%swap3A_82] : memref<2048xf32, #tpu.memory_space<vmem>>, vector<2048xf32>
    tpu.vector_store %arg5[%swap3A_82], %reshape3A_81 {strides = array<i32>} : memref<2048xf32, #tpu.memory_space<vmem>>, vector<2048xf32>,
    %broadcast_in_dim3A_84 = arith.constant 1.000000e+00 : f32
    %broadcast_in_dim3A_85 = vector.broadcast %broadcast_in_dim3A_84 : f32 to vector<1024x1xf32>
    %concatenate3A_86 = tpu.concatenate %broadcast_in_dim3A_85, %neg3A_23, %sub3A_27 in 1 : vector<1024x1xf32>, vector<1024x1xf32>, vector<1024x1xf32> -> vector<1024x3xf32>
    %concatenate3A_87 = tpu.concatenate %broadcast_in_dim3A_85, %neg3A_70, %sub3A_74 in 1 : vector<1024x1xf32>, vector<1024x1xf32>, vector<1024x1xf32> -> vector<1024x3xf32>
    %dot_general3A = arith.constant dense<0.000000e+00> : vector<3x1000xf32>
    %dot_general3A_88 = tpu.matmul %concatenate3A_86, %select_n3A, %dot_general3A {dimension_numbers = #tpu.dot_dimension_numbers<[0], [0], [1], [1], [0, 1, 1, 1], [], []>, transpose_lhs_hint = false} : vector<1024x3xf32>, vector<1024x1000xf32>, vector<3x1000xf32> -> vector<3x1000xf32>
    %dot_general3A_89 = arith.constant dense<0.000000e+00> : vector<3x1000xf32>
    %dot_general3A_90 = tpu.matmul %concatenate3A_87, %select_n3A_58, %dot_general3A_89 {dimension_numbers = #tpu.dot_dimension_numbers<[0], [0], [1], [1], [0, 1, 1, 1], [], []>, transpose_lhs_hint = false} : vector<1024x3xf32>, vector<1024x1000xf32>, vector<3x1000xf32> -> vector<3x1000xf32>
    %add3A_91 = arith.addf %dot_general3A_88, %dot_general3A_90 : vector<3x1000xf32>
    %eq3A_92 = arith.constant 0 : i32
    %eq3A_93 = arith.cmpi eq, %arg0, %eq3A_92 : i32
    %convert_element_type3A = arith.extui %eq3A_93 : i1 to i32
    %cond3A = arith.constant 0 : i32
    %cond3A_94 = arith.cmpi ne, %convert_element_type3A, %cond3A : i32
    scf.if %cond3A_94 {
      %broadcast_in_dim3A_114 = arith.constant 0.000000e+00 : f32
      %broadcast_in_dim3A_115 = vector.broadcast %broadcast_in_dim3A_114 : f32 to vector<1000xf32>
      %swap3A_116 = arith.constant 0 : index
      %swap3A_117 = vector.load %arg6[%swap3A_116] : memref<1000xf32, #tpu.memory_space<vmem>>, vector<1000xf32>
      tpu.vector_store %arg6[%swap3A_116], %broadcast_in_dim3A_115 {strides = array<i32>} : memref<1000xf32, #tpu.memory_space<vmem>>, vector<1000xf32>,
      %broadcast_in_dim3A_118 = arith.constant 0.000000e+00 : f32
      %broadcast_in_dim3A_119 = vector.broadcast %broadcast_in_dim3A_118 : f32 to vector<1000xf32>
      %swap3A_120 = arith.constant 0 : index
      %swap3A_121 = vector.load %arg7[%swap3A_120] : memref<1000xf32, #tpu.memory_space<vmem>>, vector<1000xf32>
      tpu.vector_store %arg7[%swap3A_120], %broadcast_in_dim3A_119 {strides = array<i32>} : memref<1000xf32, #tpu.memory_space<vmem>>, vector<1000xf32>,
      %broadcast_in_dim3A_122 = arith.constant 0.000000e+00 : f32
      %broadcast_in_dim3A_123 = vector.broadcast %broadcast_in_dim3A_122 : f32 to vector<1000xf32>
      %swap3A_124 = arith.constant 0 : index
      %swap3A_125 = vector.load %arg8[%swap3A_124] : memref<1000xf32, #tpu.memory_space<vmem>>, vector<1000xf32>
      tpu.vector_store %arg8[%swap3A_124], %broadcast_in_dim3A_123 {strides = array<i32>} : memref<1000xf32, #tpu.memory_space<vmem>>, vector<1000xf32>,
    } else {
    }
    %get3A_95 = arith.constant 0 : index
    %get3A_96 = vector.load %arg6[%get3A_95] : memref<1000xf32, #tpu.memory_space<vmem>>, vector<1000xf32>
    %slice3A = vector.extract_strided_slice %add3A_91 {offsets = [0, 0], sizes = [1, 1000], strides = [1, 1]} : vector<3x1000xf32> to vector<1x1000xf32>
    %squeeze3A = vector.shape_cast %slice3A : vector<1x1000xf32> to vector<1000xf32>
    %add3A_97 = arith.addf %get3A_96, %squeeze3A : vector<1000xf32>
    %swap3A_98 = arith.constant 0 : index
    %swap3A_99 = vector.load %arg6[%swap3A_98] : memref<1000xf32, #tpu.memory_space<vmem>>, vector<1000xf32>
    tpu.vector_store %arg6[%swap3A_98], %add3A_97 {strides = array<i32>} : memref<1000xf32, #tpu.memory_space<vmem>>, vector<1000xf32>,
    %get3A_100 = arith.constant 0 : index
    %get3A_101 = vector.load %arg7[%get3A_100] : memref<1000xf32, #tpu.memory_space<vmem>>, vector<1000xf32>
    %slice3A_102 = vector.extract_strided_slice %add3A_91 {offsets = [1, 0], sizes = [1, 1000], strides = [1, 1]} : vector<3x1000xf32> to vector<1x1000xf32>
    %squeeze3A_103 = vector.shape_cast %slice3A_102 : vector<1x1000xf32> to vector<1000xf32>
    %add3A_104 = arith.addf %get3A_101, %squeeze3A_103 : vector<1000xf32>
    %swap3A_105 = arith.constant 0 : index
    %swap3A_106 = vector.load %arg7[%swap3A_105] : memref<1000xf32, #tpu.memory_space<vmem>>, vector<1000xf32>
    tpu.vector_store %arg7[%swap3A_105], %add3A_104 {strides = array<i32>} : memref<1000xf32, #tpu.memory_space<vmem>>, vector<1000xf32>,
    %get3A_107 = arith.constant 0 : index
    %get3A_108 = vector.load %arg8[%get3A_107] : memref<1000xf32, #tpu.memory_space<vmem>>, vector<1000xf32>
    %slice3A_109 = vector.extract_strided_slice %add3A_91 {offsets = [2, 0], sizes = [1, 1000], strides = [1, 1]} : vector<3x1000xf32> to vector<1x1000xf32>
    %squeeze3A_110 = vector.shape_cast %slice3A_109 : vector<1x1000xf32> to vector<1000xf32>
    %add3A_111 = arith.addf %get3A_108, %squeeze3A_110 : vector<1000xf32>
    %swap3A_112 = arith.constant 0 : index
    %swap3A_113 = vector.load %arg8[%swap3A_112] : memref<1000xf32, #tpu.memory_space<vmem>>, vector<1000xf32>
    tpu.vector_store %arg8[%swap3A_112], %add3A_111 {strides = array<i32>} : memref<1000xf32, #tpu.memory_space<vmem>>, vector<1000xf32>,
    return
  }
  func.func @transform_0(%arg0: i32) -> (i32, i32) {
    %mul3A = arith.constant 2 : i32
    %mul3A_0 = arith.muli %mul3A, %arg0 : i32
    %c0_i32 = arith.constant 0 : i32
    %c0_i32_1 = arith.constant 0 : i32
    return %mul3A_0, %c0_i32 : i32, i32
  }
  func.func @transform_1(%arg0: i32) -> (i32, i32) {
    %mul3A = arith.constant 2 : i32
    %mul3A_0 = arith.muli %mul3A, %arg0 : i32
    %add3A = arith.constant 1 : i32
    %add3A_1 = arith.addi %mul3A_0, %add3A : i32
    %c0_i32 = arith.constant 0 : i32
    %c0_i32_2 = arith.constant 0 : i32
    return %add3A_1, %c0_i32 : i32, i32
  }
  func.func @transform_2(%arg0: i32) -> (i32, i32) {
    %c0_i32 = arith.constant 0 : i32
    %c0_i32_0 = arith.constant 0 : i32
    return %arg0, %c0_i32 : i32, i32
  }
  func.func @transform_3(%arg0: i32) -> i32 {
    %c0_i32 = arith.constant 0 : i32
    return %arg0 : i32
  }
  func.func @transform_4(%arg0: i32) -> i32 {
    %c0_i32 = arith.constant 0 : i32
    return %arg0 : i32
  }
  func.func @transform_5(%arg0: i32) -> i32 {
    %c0_i32 = arith.constant 0 : i32
    %c0_i32_0 = arith.constant 0 : i32
    return %c0_i32 : i32
  }
  func.func @transform_6(%arg0: i32) -> i32 {
    %c0_i32 = arith.constant 0 : i32
    %c0_i32_0 = arith.constant 0 : i32
    return %c0_i32 : i32
  }
  func.func @transform_7(%arg0: i32) -> i32 {
    %c0_i32 = arith.constant 0 : i32
    %c0_i32_0 = arith.constant 0 : i32
    return %c0_i32 : i32
  }
}

</mosaic_0001>

<sc_bundles>
// kernel: kernel.4.cloned.1.call-start
scs
__scs_entry_jumppad:
0x0: {  	(pc) =	sbr.rel $0x88, $3  }
0x1: {  	(tag) =	ssettag $0x0;
	lr =	simm.s32 $0x1  }
0x2: {  	[smem:$0x3F9B] =	sst lr;
	_ =	strace $0xD0000000  }
0x3: {  	_ = 	snop  }
0x4: {  	_ = 	snop  }
0x5: {  	_ = 	snop  }
0x6: {  	_ = 	snop  }
0x7: {  	_ = 	snop  }
__scs_overlays_trampoline_lowered:
0x8: {  	[smem:$0x3FAA] =	sst s0  }
0x9: {  	[smem:$0x3FAB] =	sst s1  }
0xa: {  	[smem:$0x3FAC] =	sst s2  }
0xb: {  	[smem:$0x3FAD] =	sst s3  }
0xc: {  	[smem:$0x3FAE] =	sst s4  }
0xd: {  	[smem:$0x3FAF] =	sst s5  }
0xe: {  	[smem:$0x3FB0] =	sst s6  }
0xf: {  	[smem:$0x3FB1] =	sst s7  }
0x10: {  	[smem:$0x3FB2] =	sst s8  }
0x11: {  	[smem:$0x3FB3] =	sst s9;
	s0 =	simm.s32 @!p0 $0x0  }
0x12: {  	s1 =	sld [smem:$0x3F99];
	s0 =	simm.s32 @p0 $0x1  }
0x13: {  	[smem:$0x3FB4] =	sst s0;
	s0 =	simm.s32 @!p1 $0x0  }
0x14: {  	s2 =	sld [smem:$0x3F98];
	s0 =	simm.s32 @p1 $0x1  }
0x15: {  	[smem:$0x3FB5] =	sst s0;
	s0 =	simm.s32 @!p2 $0x0  }
0x16: {  	s3 =	sld [smem:$0x3FDB];
	s0 =	simm.s32 @p2 $0x1  }
0x17: {  	s4 =	simm.s32 $0x1BF5;
	[smem:$0x3FB7] =	sst s0  }
0x18: {  	s0 =	sld [smem:$0x3F9A];
	_ =	swait.ge [sflag:s4], $0x0  }
0x19: {  	s7 =	sld [smem:$0x3F9B]  }
0x1a: {  	s8 =	sadd.s32 $0xFFFFE003, lr  }
0x1b: {  	s9 =	sadd.s32 $0xFFFFFEF7, lr;
	s5 =	simm.s32 $0xFFFFFFFF;
	p2 =	slt.u32 s8, $0xFFFFF086  }
0x1c: {  	p1 =	slt.u32 s9, $0xF7A;
	s5 =	simm.s32 @!p2 $0x0  }
0x1d: {  	s5 =	simm.s32 @p1 $0x1;
	p0 =	seq.s32 s7, s2  }
0x1e: {  	s7 =	smul.u32 @!p0 $0xF7A, s2;
	p2 =	seq.s32 @!p0 s5, $0x0  }
0x1f: {  	s9 =	smul.u32 $0xF7A, s1;
	s8 =	simm.s32 @!p0 $0x1BF5;
	p2 =	por !p2, p0  }
0x20: {  	[sflag:s8] =	ssyncset.s32 @!p0 $0xFFFFF086;
	s6 =	sadd.s32 @!p0 s3, s7;
	s7 =	simm.s32 @!p0 $0x108  }
0x21: {  	s3 =	sadd.s32 s3, s9;
	s6 =	sadd.s32 @!p0 $0x88, s6;
	s7 =	simm.s32 @p2 $0x1082  }
0x22: {  	[simem:s7], [sflag:s8] =	dma.local @!p0 [hbm:s6], $0xF7A  }
0x23: {  	s9 =	sor.u32 $0xD0000000, s2;
	s6 =	simm.s32 $0x108;
	_ =	swait.ge @!p0 [sflag:s8], $0x0  }
0x24: {  	s3 =	sadd.s32 $0x88, s3;
	s6 =	simm.s32 @!p1 $0x1082;
	[sflag:s4] =	ssyncset.s32 $0xFFFFF086  }
0x25: {  	[simem:s6], [sflag:s4] =	dma.local [hbm:s3], $0xF7A  }
0x26: {  	[smem:$0x3F9B] =	sst s1;
	(tag) =	ssettag s2;
	_ =	strace s9  }
0x27: {  	s1 =	sld [smem:$0x3FAB]  }
0x28: {  	s2 =	sld [smem:$0x3FAC]  }
0x29: {  	s4 =	sld [smem:$0x3FAE]  }
0x2a: {  	p0 =	seq.s32 s5, $0x0;
	s5 =	sld [smem:$0x3FAF]  }
0x2b: {  	s6 =	sld [smem:$0x3FB0]  }
0x2c: {  	s7 =	sld [smem:$0x3FB1]  }
0x2d: {  	s3 =	simm.s32 $0x108;
	s8 =	sld [smem:$0x3FB2]  }
0x2e: {  	s3 =	simm.s32 @!p0 $0x1082;
	s9 =	sld [smem:$0x3FB3]  }
0x2f: {  	lr =	sadd.s32 s0, s3;
	s0 =	sld [smem:$0x3FAA]  }
0x30: {  	s3 =	sld [smem:$0x3FAD]  }
0x31: {  	[smem:$0x3FB6] =	sst s10  }
0x32: {  	s10 =	sld [smem:$0x3FB4];
	_ =	sdelay $0x3  }
0x33: {  	p0 =	seq.s32 s10, $0x1;
	s10 =	sld [smem:$0x3FB6];
	_ =	sdelay $0x3  }
0x34: {  	[smem:$0x3FB6] =	sst s10  }
0x35: {  	s10 =	sld [smem:$0x3FB5];
	_ =	sdelay $0x3  }
0x36: {  	p1 =	seq.s32 s10, $0x1;
	s10 =	sld [smem:$0x3FB6];
	_ =	sdelay $0x3  }
0x37: {  	[smem:$0x3FB6] =	sst s10  }
0x38: {  	s10 =	sld [smem:$0x3FB7]  }
0x39: {  	_ = 	snop;
	(pc) =	sbr.ind lr, $3  }
0x3a: {  	_ = 	snop  }
0x3b: {  	_ = 	snop  }
0x3c: {  	p2 =	seq.s32 s10, $0x1;
	s10 =	sld [smem:$0x3FB6]  }
0x3d: {  	_ =	shalt  }
0x3e: {  	_ =	shalt  }
0x3f: {  	_ =	shalt  }
0x40: {  	_ =	shalt  }
0x41: {  	_ =	shalt  }
0x42: {  	_ =	shalt  }
0x43: {  	_ =	shalt  }
0x44: {  	_ =	shalt  }
0x45: {  	_ =	shalt  }
0x46: {  	_ =	shalt  }
0x47: {  	_ =	shalt  }
0x48: {  	_ =	shalt  }
0x49: {  	_ =	shalt  }
0x4a: {  	_ =	shalt  }
0x4b: {  	_ =	shalt  }
0x4c: {  	_ =	shalt  }
0x4d: {  	_ =	shalt  }
0x4e: {  	_ =	shalt  }
0x4f: {  	_ =	shalt  }
0x50: {  	_ =	shalt  }
0x51: {  	_ =	shalt  }
0x52: {  	_ =	shalt  }
0x53: {  	_ =	shalt  }
0x54: {  	_ =	shalt  }
0x55: {  	_ =	shalt  }
0x56: {  	_ =	shalt  }
0x57: {  	_ =	shalt  }
0x58: {  	_ =	shalt  }
0x59: {  	_ =	shalt  }
0x5a: {  	_ =	shalt  }
0x5b: {  	_ =	shalt  }
0x5c: {  	_ =	shalt  }
0x5d: {  	_ =	shalt  }
0x5e: {  	_ =	shalt  }
0x5f: {  	_ =	shalt  }
0x60: {  	_ =	shalt  }
0x61: {  	_ =	shalt  }
0x62: {  	_ =	shalt  }
0x63: {  	_ =	shalt  }
0x64: {  	_ =	shalt  }
0x65: {  	_ =	shalt  }
0x66: {  	_ =	shalt  }
0x67: {  	_ =	shalt  }
0x68: {  	_ =	shalt  }
0x69: {  	_ =	shalt  }
0x6a: {  	_ =	shalt  }
0x6b: {  	_ =	shalt  }
0x6c: {  	_ =	shalt  }
0x6d: {  	_ =	shalt  }
0x6e: {  	_ =	shalt  }
0x6f: {  	_ =	shalt  }
0x70: {  	_ =	shalt  }
0x71: {  	_ =	shalt  }
0x72: {  	_ =	shalt  }
0x73: {  	_ =	shalt  }
0x74: {  	_ =	shalt  }
0x75: {  	_ =	shalt  }
0x76: {  	_ =	shalt  }
0x77: {  	_ =	shalt  }
0x78: {  	_ =	shalt  }
0x79: {  	_ =	shalt  }
0x7a: {  	_ =	shalt  }
0x7b: {  	_ =	shalt  }
0x7c: {  	_ =	shalt  }
0x7d: {  	_ =	shalt  }
0x7e: {  	_ =	shalt  }
0x7f: {  	_ =	shalt  }
0x80: {  	_ =	shalt  }
0x81: {  	_ =	shalt  }
0x82: {  	_ =	shalt  }
0x83: {  	_ =	shalt  }
0x84: {  	_ =	shalt  }
0x85: {  	_ =	shalt  }
0x86: {  	_ =	shalt  }
0x87: {  	_ =	shalt  }
.Lfunc_end0:
.L_simem_size_0:
called_computation_lowered:
.L_overlay_start_0:
0x88: {  	s2 =	sld [smem:$0x3FD9]  }
0x89: {  	s3 =	sld [smem:$0x3FFE];
	_ =	sdelay $0x1  }
0x8a: {  	s1 =	srdreg.scid  }
0x8b: {  	s0 =	sand.u32 $0x1, s1  }
0x8c: {  	s17 =	sshll.u32 s0, $0xA;
	s2 =	sadd.s32 s3, s2  }
0x8d: {  	s2 =	sadd.s32 s2, s17  }
0x8e: {  	[smem:$0x3FC2] =	sst s2  }
0x8f: {  	_ = 	snop  }
0x90: {  	s2 =	sld [smem:$0x3FC8]  }
0x91: {  	s18 =	sld [smem:$0x3FC6]  }
0x92: {  	s4 =	sld [smem:$0x3FC5]  }
0x93: {  	s5 =	sld [smem:$0x3FC4]  }
0x94: {  	s6 =	sld [smem:$0x3FD0];
	(tm) =	ssettm $0x1  }
0x95: {  	s7 =	sld [smem:$0x3FFB];
	_ =	sdelay $0x3  }
0x96: {  	_ =	strace s7  }
0x97: {  	s7 =	sld [smem:$0x3FFC];
	_ =	sdelay $0x3  }
0x98: {  	_ =	strace s7  }
0x99: {  	s7 =	sld [smem:$0x3FFD];
	_ =	sdelay $0x3  }
0x9a: {  	_ =	strace s7  }
0x9b: {  	_ =	strace $0x8FFFFFFF  }
0x9c: {  	s19 =	sld [smem:$0x3FDB];
	_ =	sdelay $0x1  }
0x9d: {  	s8 =	simm.s32 $_scs_section_size  }
0x9e: {  	s9 =	simm.s32 $_size__tile_overlayer_lowered;
	s10 =	simm.s32 $_tile_overlayer_lowered  }
0x9f: {  	s22 =	simm.s32 $0x1BFF;
	s21 =	sshll.u32 s10, $0x1;
	s7 =	sadd.s32 s8, s19  }
0xa0: {  	s11 =	simm.s32 $0x0;
	s20 =	sshll.u32 s9, $0x1;
	s9 =	sadd.s32 s21, s7  }
0xa1: {  	[timem:s11], [sflag:s22] =	dma.local [hbm:s9], s20  }
0xa2: {  	_ =	swait.ge [sflag:s22], s20  }
0xa3: {  	s8 =	ssub.s32 $0x0, s20;
	[sflag:s22] =	ssyncset.done $0x0  }
0xa4: {  	[sflag:s22] =	ssyncadd.s32 s8;
	_ =	sdelay $0x1  }
0xa5: {  	s23 =	simm.s32 $0x1B8B  }
0xa6: {  	_ =	swait.ge [sflag:s23], $0x1  }
0xa7: {  	[sflag:s23] =	ssyncset.done $0x0  }
0xa8: {  	s25 =	simm.s32 $0x1B8E;
	s24 =	sld [smem:$0x3FFE];
	[sflag:s23] =	ssyncadd.s32 $0xFFFFFFFF  }
0xa9: {  	s26 =	simm.s32 $execute0_lowered;
	[smem:$0x3FD2] =	sst s25  }
0xaa: {  	s9 =	sshll.u32 s26, $0x1;
	_ =	strace $0x80000046;
	[dreg:$0x1] =	wrdreg $0xFFFFFFFF  }
0xab: {  	s28 =	simm.s32 $_size_execute0_lowered;
	s7 =	sadd.s32 s7, s9;
	[dreg:$0x0] =	wrdreg $0x0  }
0xac: {  	s9 =	sshll.u32 s28, $0x1;
	[dreg:$0x2] =	wrdreg s7  }
0xad: {  	[dreg:$0x3] =	wrdreg s9  }
0xae: {  	[dreg:$0x4] =	wrdreg $0xC0  }
0xaf: {  	_ =	task [dreg:s11], $0x5FFFF  }
0xb0: {  	[dreg:$0x1] =	wrdreg $0xFFFFFFFF  }
0xb1: {  	[dreg:$0x0] =	wrdreg $0x60  }
0xb2: {  	[dreg:$0x2] =	wrdreg s2  }
0xb3: {  	[dreg:$0x3] =	wrdreg s24  }
0xb4: {  	[dreg:$0x4] =	wrdreg s18  }
0xb5: {  	[dreg:$0x5] =	wrdreg s4  }
0xb6: {  	[dreg:$0x6] =	wrdreg s5  }
0xb7: {  	[dreg:$0x7] =	wrdreg s6  }
0xb8: {  	[dreg:$0x8] =	wrdreg $0x1F000  }
0xb9: {  	[dreg:$0x9] =	wrdreg $0x1F400  }
0xba: {  	[dreg:$0xa] =	wrdreg $0x1F800  }
0xbb: {  	[dreg:$0xb] =	wrdreg $0x1F900  }
0xbc: {  	[dreg:$0xc] =	wrdreg $0x9  }
0xbd: {  	_ =	task.clear_ibuf [dreg:s11], $0xDFFFF;
	_ =	strace $0x90000046  }
0xbe: {  	s29 =	simm.s32 $0x9;
	_ =	strace $0x80000048  }
0xbf: {  	_ =	swait.ge [sflag:s29], $0x1  }
0xc0: {  	[sflag:s29] =	ssyncadd.s32 $0xFFFFFFFF  }
0xc1: {  	_ =	strace $0x90000048  }
0xc2: {  	_ =	sfence  }
0xc3: {  	s30 =	sld [smem:$0x0];
	_ =	sdelay $0x2  }
0xc4: {  	s31 =	sshll.u32 s1, $0xD;
	s1 =	sshrl.u32 s1, $0x2  }
0xc5: {  	s3 =	sand.u32 $0x4000, s31;
	s1 =	sadd.s32 s1, s30  }
0xc6: {  	s0 =	sor.u32 s3, s0;
	s1 =	sshll.u32 s1, $0x11  }
0xc7: {  	s0 =	sor.u32 s1, s0  }
0xc8: {  	s0 =	sadd.s32 $0x8F2B, s0  }
0xc9: {  	[sflag:s0] =	ssyncadd.remote.s32 $0x1  }
0xca: {  	_ =	sfence.sel $0xFFFF  }
0xcb: {  	[dreg:$0x0] =	wrdreg $0xFFFFFFFF;
	(pc) =	sbr.abs _section_cstart, $3  }
0xcc: {  	[dreg:$0x1] =	wrdreg $0xFFFFFFFF  }
0xcd: {  	_ =	task.clear_ibuf [dreg:s11], $0x2FFFF;
	_ =	strace $0x9FFFFFFF  }
0xce: {  	(tm) =	ssettm $0x7FFFFFFF  }
0xcf: {  	_ =	shalt  }
tec
execute0_lowered:
.L_overlay_start_1:
0x0: {  	(tag) =	ssettag $0x1  }
0x1: {  	s0 =	rddreg [dreg:$0x0]  }
0x2: {  	s1 =	rddreg [dreg:$0x1]  }
0x3: {  	s2 =	rddreg [dreg:$0x2]  }
0x4: {  	s3 =	rddreg [dreg:$0x3]  }
0x5: {  	s23 =	rddreg [dreg:$0x6]  }
0x6: {  	s24 =	rddreg [dreg:$0x7]  }
0x7: {  	s25 =	rddreg [dreg:$0x8]  }
0x8: {  	s26 =	rddreg [dreg:$0x9];
	s8 =	simm.s32 $0x0  }
0x9: {  	s29 =	stileid.u32;
	s4 =	srdreg.scid;
	s31 =	simm.s32 $0x1780  }
0xa: {  	s30 =	simm.s32 $0x0;
	[smem:$0x7FF] =	sst s8;
	s5 =	sshll.u32 s29, $0x7  }
0xb: {  	s4 =	sand.u32 $0x1, s4;
	s7 =	sshll.u32 s29, $0x3;
	s9 =	sadd.s32 $0x2800, s1  }
0xc: {  	s18 =	sadd.s32 $0x2278, s1;
	s19 =	sadd.s32 $0x2478, s1;
	s20 =	sadd.s32 $0x2678, s1  }
0xd: {  	s21 =	sadd.s32 $0x78, s2;
	s22 =	sadd.s32 $0x78, s3;
	p1 =	seq.s32 s29, $0xF  }
0xe: {  	_ =	strace $0x80000047;
	s6 =	sadd.s32 s5, s1;
	s10 =	ssub.s32 $0x2, s4  }
0xf: {  	s15 =	sadd.s32 s7, s1;
	s16 =	sadd.s32 s2, s7;
	s17 =	sadd.s32 s3, s7  }
0x10: {  	s4 =	sor.u32 s29, s4;
	s7 =	sshll.u32 s29, $0x4;
	s1 =	simm.s32 $0x2  }
0x11: {  	s3 =	simm.s32 $0x1C00;
	s11 =	sshrl.u32 s10, $0x1;
	s12 =	sadd.s32 $0x1A00, s6  }
0x12: {  	s13 =	sadd.s32 $0x2200, s15;
	s14 =	sadd.s32 $0x2400, s15;
	s15 =	sadd.s32 $0x2600, s15  }
0x13: {  	v0 =	vlaneseq.u32;
	p0 =	sne.s32 s4, $0x0;
	s25 =	sadd.s32 s7, s25;
	s26 =	sadd.s32 s7, s26  }
0x14: {  	v1 =	vmul.u32 $0xFFFFFFFF, v0;
	s28 =	ssub.s32 s10, s11;
	s10 =	sadd.s32 s0, s5;
	s0 =	sshll.u32 s29, $0x6  }
0x15: {  	v0 =	vimm.f32 $0.0e+00;
	s11 =	sadd.s32 $0x1200, s6;
	s5 =	sor.u32 $0x20, s0;
	s6 =	sor.u32 $0x30, s0  }
0x16: {  	v1 =	vadd.s32 $0x3E8, v1;
	s4 =	simm.s32 $0xF80;
	s29 =	simm.s32 $0x1;
	s23 =	sadd.s32 s0, s23;
	v2 =	vmov s5;
	v3 =	vmov s6  }
0x17: {  	s24 =	sadd.s32 s0, s24;
	s28 =	smax.u32 s28, $0x1;
	s5 =	simm.s32 $0x1380;
	vm0 =	vlt.u32 v3, v1;
	vm1 =	vlt.u32 v2, v1;
	v1 =	vimm.f32 $1.000000950e+00  }
.LBB2_1:
0x18: {  	[tilespmem:s8], [sflag:$0x1] =	stream.linear.gather [hbm4b:s10+s8], $0x400, $0x38;
	[tilespmem:$0x1FA0] =	vst v63  }
0x19: {  	s0 =	simm.s32 $0x400  }
0x1a: {  	[tilespmem:s0], [sflag:$0x1] =	stream.linear.gather [hbm4b:s11+s8], $0x400, $0x38;
	[tilespmem:$0x1FA0] =	vst v63  }
0x1b: {  	s2 =	simm.s32 $0x800  }
0x1c: {  	[tilespmem:s2], [sflag:$0x1] =	stream.linear.gather [hbm4b:s12+s8], $0x400, $0x38;
	[tilespmem:$0x1FA0] =	vst v63  }
0x1d: {  	s6 =	rddreg [dreg:$0x4]  }
0x1e: {  	[tilespmem:s31], [sflag:$0x1] =	stream.linear.gather [hbm4b:s6+s8], $0x3E8, $0x38;
	[tilespmem:$0x1FA0] =	vst v63  }
0x1f: {  	s7 =	simm.s32 $0x1B80  }
0x20: {  	[tilespmem:s7], [sflag:$0x1] =	stream.linear.gather [hbm4b:s9+s8], $0x80, $0x38;
	[tilespmem:$0x1FA0] =	vst v63  }
0x21: {  	[tilespmem:$0xC00] =	vst v0  }
0x22: {  	[tilespmem:$0xC80] =	vst v0  }
0x23: {  	[tilespmem:$0xD00] =	vst v0  }
0x24: {  	[tilespmem:$0xD80] =	vst v0  }
0x25: {  	[tilespmem:$0xE00] =	vst v0  }
0x26: {  	[tilespmem:$0xC10] =	vst v0  }
0x27: {  	[tilespmem:$0xC90] =	vst v0  }
0x28: {  	[tilespmem:$0xD10] =	vst v0  }
0x29: {  	[tilespmem:$0xD90] =	vst v0  }
0x2a: {  	[tilespmem:$0xE10] =	vst v0  }
0x2b: {  	[tilespmem:$0xC20] =	vst v0  }
0x2c: {  	[tilespmem:$0xCA0] =	vst v0  }
0x2d: {  	[tilespmem:$0xD20] =	vst v0  }
0x2e: {  	[tilespmem:$0xDA0] =	vst v0  }
0x2f: {  	[tilespmem:$0xE20] =	vst v0  }
0x30: {  	[tilespmem:$0xC30] =	vst v0  }
0x31: {  	[tilespmem:$0xCB0] =	vst v0  }
0x32: {  	[tilespmem:$0xD30] =	vst v0  }
0x33: {  	[tilespmem:$0xDB0] =	vst v0  }
0x34: {  	s0 =	simm.s32 @p1 $0x0;
	s2 =	simm.s32 @p1 $0xC00;
	[tilespmem:$0xE30] =	vst v0  }
0x35: {  	[tilespmem:s2], [sflag:$0x2] =	stream.linear.gather @p1 [hbm4b:s18+s0], $0x28, $0x38;
	[tilespmem:$0x1FA0] =	vst v63  }
0x36: {  	s2 =	simm.s32 @p1 $0x2  }
0x37: {  	_ =	swait.ge @p1 [sflag:s2], $0x28  }
0x38: {  	[sflag:s2] =	ssyncset.done @p1 $0x0  }
0x39: {  	s6 =	simm.s32 @p1 $0xC80;
	[sflag:s2] =	ssyncadd.s32 @p1 $0xFFFFFFD8  }
0x3a: {  	[tilespmem:s6], [sflag:$0x2] =	stream.linear.gather @p1 [hbm4b:s19+s0], $0x28, $0x38;
	[tilespmem:$0x1FA0] =	vst v63  }
0x3b: {  	_ =	swait.ge @p1 [sflag:s2], $0x28  }
0x3c: {  	[sflag:s2] =	ssyncset.done @p1 $0x0  }
0x3d: {  	s6 =	simm.s32 @p1 $0xD00;
	[sflag:s2] =	ssyncadd.s32 @p1 $0xFFFFFFD8  }
0x3e: {  	[tilespmem:s6], [sflag:$0x2] =	stream.linear.gather @p1 [hbm4b:s20+s0], $0x28, $0x38;
	[tilespmem:$0x1FA0] =	vst v63  }
0x3f: {  	_ =	swait.ge @p1 [sflag:s2], $0x28  }
0x40: {  	[sflag:s2] =	ssyncset.done @p1 $0x0  }
0x41: {  	s6 =	simm.s32 @p1 $0xD80;
	[sflag:s2] =	ssyncadd.s32 @p1 $0xFFFFFFD8  }
0x42: {  	[tilespmem:s6], [sflag:$0x2] =	stream.linear.gather @p1 [hbm4b:s21+s0], $0x28, $0x38;
	[tilespmem:$0x1FA0] =	vst v63  }
0x43: {  	_ =	swait.ge @p1 [sflag:s2], $0x28  }
0x44: {  	[sflag:s2] =	ssyncset.done @p1 $0x0  }
0x45: {  	s6 =	simm.s32 @p1 $0xE00;
	[sflag:s2] =	ssyncadd.s32 @p1 $0xFFFFFFD8  }
0x46: {  	[tilespmem:s6], [sflag:$0x2] =	stream.linear.gather @p1 [hbm4b:s22+s0], $0x28, $0x38;
	[tilespmem:$0x1FA0] =	vst v63  }
0x47: {  	_ =	swait.ge @p1 [sflag:s2], $0x28  }
0x48: {  	[sflag:s2] =	ssyncset.done @p1 $0x0  }
0x49: {  	s0 =	simm.s32 @!p1 $0x0;
	[sflag:s2] =	ssyncadd.s32 @p1 $0xFFFFFFD8;
	s2 =	simm.s32 @!p1 $0xC00  }
0x4a: {  	[tilespmem:s2], [sflag:$0x2] =	stream.linear.gather @!p1 [hbm4b:s13+s0], $0x40, $0x38;
	[tilespmem:$0x1FA0] =	vst v63  }
0x4b: {  	s2 =	simm.s32 @!p1 $0x2  }
0x4c: {  	_ =	swait.ge @!p1 [sflag:s2], $0x40  }
0x4d: {  	[sflag:s2] =	ssyncset.done @!p1 $0x0  }
0x4e: {  	s6 =	simm.s32 @!p1 $0xC80;
	[sflag:s2] =	ssyncadd.s32 @!p1 $0xFFFFFFC0  }
0x4f: {  	[tilespmem:s6], [sflag:$0x2] =	stream.linear.gather @!p1 [hbm4b:s14+s0], $0x40, $0x38;
	[tilespmem:$0x1FA0] =	vst v63  }
0x50: {  	_ =	swait.ge @!p1 [sflag:s2], $0x40  }
0x51: {  	[sflag:s2] =	ssyncset.done @!p1 $0x0  }
0x52: {  	s6 =	simm.s32 @!p1 $0xD00;
	[sflag:s2] =	ssyncadd.s32 @!p1 $0xFFFFFFC0  }
0x53: {  	[tilespmem:s6], [sflag:$0x2] =	stream.linear.gather @!p1 [hbm4b:s15+s0], $0x40, $0x38;
	[tilespmem:$0x1FA0] =	vst v63  }
0x54: {  	_ =	swait.ge @!p1 [sflag:s2], $0x40  }
0x55: {  	[sflag:s2] =	ssyncset.done @!p1 $0x0  }
0x56: {  	s6 =	simm.s32 @!p1 $0xD80;
	[sflag:s2] =	ssyncadd.s32 @!p1 $0xFFFFFFC0  }
0x57: {  	[tilespmem:s6], [sflag:$0x2] =	stream.linear.gather @!p1 [hbm4b:s16+s0], $0x40, $0x38;
	[tilespmem:$0x1FA0] =	vst v63  }
0x58: {  	_ =	swait.ge @!p1 [sflag:s2], $0x40  }
0x59: {  	[sflag:s2] =	ssyncset.done @!p1 $0x0  }
0x5a: {  	s6 =	simm.s32 @!p1 $0xE00;
	[sflag:s2] =	ssyncadd.s32 @!p1 $0xFFFFFFC0  }
0x5b: {  	[tilespmem:s6], [sflag:$0x2] =	stream.linear.gather @!p1 [hbm4b:s17+s0], $0x40, $0x38;
	[tilespmem:$0x1FA0] =	vst v63  }
0x5c: {  	_ =	swait.ge @!p1 [sflag:s2], $0x40  }
0x5d: {  	[sflag:s2] =	ssyncset.done @!p1 $0x0  }
0x5e: {  	[sflag:s2] =	ssyncadd.s32 @!p1 $0xFFFFFFC0  }
0x5f: {  	v2 =	vld [tilespmem:$0xC00];
	_ =	sdelay $0x4  }
0x60: {  	v3 =	vmax.f32 v2, $1.000000000e+00  }
0x61: {  	(erf) = vrcp.f32 v3;
	_ =	sdelay $0x4  }
0x62: {  	v3 =	vld [tilespmem:$0xD00];
	_ =	sdelay $0x1  }
0x63: {  	v4 =	vld [tilespmem:$0xE00];
	_ =	sdelay $0x1  }
0x64: {  	v5 =	vpop (erf)  }
0x65: {  	v3 =	vmul.f32 v5, v3;
	_ =	sdelay $0x1  }
0x66: {  	v6 =	vmul.f32 $8.999999760e-01, v4;
	v3 =	vmul.f32 $1.000000010e-01, v3;
	_ =	sdelay $0x1  }
0x67: {  	v3 =	vadd.f32 v6, v3;
	v6 =	vld [tilespmem:$0xC10]  }
0x68: {  	vm2 =	vgt.f32 v2, $0.0e+00  }
0x69: {  	v2 =	vsel vm2, v3, v4  }
0x6a: {  	v2 =	vadd.f32 $9.999999970e-07, v2;
	_ =	sdelay $0x1  }
0x6b: {  	(erf) = vrcp.f32 v2;
	v2 =	vmax.f32 v6, $1.000000000e+00  }
0x6c: {  	(erf) = vrcp.f32 v2;
	_ =	sdelay $0x4  }
0x6d: {  	v2 =	vld [tilespmem:$0xD10];
	_ =	sdelay $0x1  }
0x6e: {  	v3 =	vld [tilespmem:$0xE10]  }
0x6f: {  	v4 =	vpop (erf)  }
0x70: {  	v7 =	vpop (erf)  }
0x71: {  	v2 =	vmul.f32 v7, v2;
	_ =	sdelay $0x1  }
0x72: {  	v8 =	vmul.f32 $8.999999760e-01, v3;
	v2 =	vmul.f32 $1.000000010e-01, v2;
	_ =	sdelay $0x1  }
0x73: {  	v2 =	vadd.f32 v8, v2;
	v8 =	vld [tilespmem:$0xC20]  }
0x74: {  	vm3 =	vgt.f32 v6, $0.0e+00  }
0x75: {  	v2 =	vsel vm3, v2, v3  }
0x76: {  	v2 =	vadd.f32 $9.999999970e-07, v2;
	_ =	sdelay $0x1  }
0x77: {  	(erf) = vrcp.f32 v2;
	v2 =	vmax.f32 v8, $1.000000000e+00  }
0x78: {  	(erf) = vrcp.f32 v2;
	_ =	sdelay $0x4  }
0x79: {  	v2 =	vld [tilespmem:$0xD20];
	_ =	sdelay $0x1  }
0x7a: {  	v3 =	vld [tilespmem:$0xE20]  }
0x7b: {  	v6 =	vpop (erf)  }
0x7c: {  	v9 =	vpop (erf)  }
0x7d: {  	v2 =	vmul.f32 v9, v2;
	_ =	sdelay $0x1  }
0x7e: {  	v10 =	vmul.f32 $8.999999760e-01, v3;
	v2 =	vmul.f32 $1.000000010e-01, v2;
	_ =	sdelay $0x1  }
0x7f: {  	v2 =	vadd.f32 v10, v2;
	v10 =	vld [tilespmem:$0xC30]  }
0x80: {  	vm4 =	vgt.f32 v8, $0.0e+00  }
0x81: {  	v2 =	vsel vm4, v2, v3  }
0x82: {  	v2 =	vadd.f32 $9.999999970e-07, v2;
	_ =	sdelay $0x1  }
0x83: {  	(erf) = vrcp.f32 v2;
	v2 =	vmax.f32 v10, $1.000000000e+00  }
0x84: {  	(erf) = vrcp.f32 v2;
	_ =	sdelay $0x4  }
0x85: {  	v2 =	vld [tilespmem:$0xD30];
	_ =	sdelay $0x1  }
0x86: {  	v3 =	vld [tilespmem:$0xE30]  }
0x87: {  	v8 =	vpop (erf)  }
0x88: {  	v11 =	vpop (erf)  }
0x89: {  	v2 =	vmul.f32 v11, v2;
	_ =	sdelay $0x1  }
0x8a: {  	v12 =	vmul.f32 $8.999999760e-01, v3;
	v2 =	vmul.f32 $1.000000010e-01, v2;
	_ =	sdelay $0x1  }
0x8b: {  	v2 =	vadd.f32 v12, v2  }
0x8c: {  	vm5 =	vgt.f32 v10, $0.0e+00  }
0x8d: {  	v2 =	vsel vm5, v2, v3  }
0x8e: {  	v2 =	vadd.f32 $9.999999970e-07, v2;
	_ =	sdelay $0x1  }
0x8f: {  	(erf) = vrcp.f32 v2;
	_ =	sdelay $0x3  }
0x90: {  	v10 =	vld [tilespmem:$0xC90]  }
0x91: {  	v3 =	vld [tilespmem:$0xC80];
	v2 =	vadd.f32 $0.0e+00, v4  }
0x92: {  	v15 =	vld [tilespmem:$0xCA0]  }
0x93: {  	v12 =	vld [tilespmem:$0xD80];
	v2 =	vadd.f32 v6, v2  }
0x94: {  	v13 =	vld [tilespmem:$0xD90];
	v8 =	vnsel vm1, $0x0, v8  }
0x95: {  	v7 =	vmul.f32 v7, v10;
	v10 =	vld [tilespmem:$0xCB0];
	v2 =	vadd.f32 v8, v2;
	v14 =	vpop (erf)  }
0x96: {  	v3 =	vmul.f32 v5, v3;
	v5 =	vld [tilespmem:$0xDA0];
	v14 =	vnsel vm0, $0x0, v14  }
0x97: {  	v9 =	vmul.f32 v9, v15;
	v2 =	vadd.f32 v14, v2  }
0x98: {  	v17 =	vld [tilespmem:$0xDB0];
	v16 =	vmul.f32 $8.999999760e-01, v12;
	v3 =	vmul.f32 $1.000000010e-01, v3  }
0x99: {  	v7 =	vmul.f32 $1.000000010e-01, v7;
	(xrf2) =	vadd.scan.msk.f32 $0xffff, v2;
	v2 =	vmul.f32 $8.999999760e-01, v13  }
0x9a: {  	v9 =	vmul.f32 $1.000000010e-01, v9;
	v3 =	vadd.f32 v3, v16  }
0x9b: {  	v10 =	vmul.f32 v11, v10;
	v2 =	vadd.f32 v7, v2;
	v7 =	vmul.f32 $8.999999760e-01, v5  }
0x9c: {  	[tilespmem:$0xF00] =	vst v4;
	v3 =	vsel vm2, v3, v12  }
0x9d: {  	v4 =	vmul.f32 $8.999999760e-01, v17;
	[tilespmem:$0xE80] =	vst v3;
	v3 =	vadd.f32 v9, v7;
	v7 =	vmul.f32 $1.000000010e-01, v10  }
0x9e: {  	v2 =	vsel vm3, v2, v13  }
0x9f: {  	[tilespmem:$0xE90] =	vst v2;
	v2 =	vsel vm4, v3, v5;
	v3 =	vadd.f32 v7, v4;
	_ =	sdelay $0x1  }
0xa0: {  	[tilespmem:$0xF10] =	vst v6  }
0xa1: {  	[tilespmem:$0xF20] =	vst v8  }
0xa2: {  	[tilespmem:$0xEA0] =	vst v2;
	v2 =	vsel vm5, v3, v17;
	v3, _, _ =	vpop (xrf2)  }
0xa3: {  	[tilespmem:$0xEB0] =	vst v2;
	v2 =	vbroadcast v3, $0xF  }
0xa4: {  	[tilespmem:$0xF30] =	vst v14  }
0xa5: {  	s2 =	simm.s32 $0xE80;
	[tilespmem:$0x1C00] =	vst v2  }
0xa6: {  	[spmem:s23] =	stream.linear.scatter [tilespmem:s2], [sflag:$0x2], $0x40, $0x38;
	[tilespmem:$0x1FA0] =	vst v63  }
0xa7: {  	_ =	swait.ge [sflag:s1], $0x40  }
0xa8: {  	[sflag:s1] =	ssyncset.done $0x0  }
0xa9: {  	s6 =	simm.s32 $0xF00;
	[sflag:s1] =	ssyncadd.s32 $0xFFFFFFC0  }
0xaa: {  	[spmem:s24] =	stream.linear.scatter [tilespmem:s6], [sflag:$0x2], $0x40, $0x38;
	[tilespmem:$0x1FA0] =	vst v63  }
0xab: {  	_ =	swait.ge [sflag:s1], $0x40  }
0xac: {  	[sflag:s1] =	ssyncset.done $0x0  }
0xad: {  	[sflag:s1] =	ssyncadd.s32 $0xFFFFFFC0  }
0xae: {  	[spmem:s25] =	stream.linear.scatter [tilespmem:s3], [sflag:$0x2], $0x10, $0x38;
	[tilespmem:$0x1FA0] =	vst v63  }
0xaf: {  	_ =	swait.ge [sflag:s1], $0x10  }
0xb0: {  	[sflag:s1] =	ssyncset.done $0x0  }
0xb1: {  	[sflag:s1] =	ssyncadd.s32 $0xFFFFFFF0  }
0xb2: {  	[bflag:$0x0] =	sbarrier.arrive $0xFFFF  }
0xb3: {  	s7 =	rddreg [dreg:$0x6]  }
0xb4: {  	[tilespmem:s4], [sflag:$0x1] =	stream.linear.gather [spmem:s7], $0x400, $0x38;
	[tilespmem:$0x1FA0] =	vst v63  }
0xb5: {  	s2 =	rddreg [dreg:$0x7]  }
0xb6: {  	[tilespmem:s5], [sflag:$0x1] =	stream.linear.gather [spmem:s2], $0x400, $0x38;
	[tilespmem:$0x1FA0] =	vst v63  }
0xb7: {  	s6 =	rddreg [dreg:$0x8];
	s7 =	simm.s32 $0x1C80  }
0xb8: {  	[tilespmem:s7], [sflag:$0x1] =	stream.linear.gather [spmem:s6], $0x100, $0x38;
	[tilespmem:$0x1FA0] =	vst v63  }
0xb9: {  	_ =	swait.ge [sflag:s29], $0x400  }
0xba: {  	[sflag:s29] =	ssyncset.done $0x0  }
0xbb: {  	[sflag:s29] =	ssyncadd.s32 $0xFFFFFC00  }
0xbc: {  	_ =	swait.ge [sflag:s29], $0x400  }
0xbd: {  	[sflag:s29] =	ssyncset.done $0x0  }
0xbe: {  	[sflag:s29] =	ssyncadd.s32 $0xFFFFFC00  }
0xbf: {  	_ =	swait.ge [sflag:s29], $0x400  }
0xc0: {  	[sflag:s29] =	ssyncset.done $0x0  }
0xc1: {  	[sflag:s29] =	ssyncadd.s32 $0xFFFFFC00  }
0xc2: {  	_ =	swait.ge [sflag:s29], $0x3E8  }
0xc3: {  	[sflag:s29] =	ssyncset.done $0x0  }
0xc4: {  	[sflag:s29] =	ssyncadd.s32 $0xFFFFFC18  }
0xc5: {  	_ =	swait.ge [sflag:s29], $0x80  }
0xc6: {  	[sflag:s29] =	ssyncset.done $0x0  }
0xc7: {  	[sflag:s29] =	ssyncadd.s32 $0xFFFFFF80  }
0xc8: {  	_ =	swait.ge [sflag:s29], $0x400  }
0xc9: {  	[sflag:s29] =	ssyncset.done $0x0  }
0xca: {  	[sflag:s29] =	ssyncadd.s32 $0xFFFFFC00  }
0xcb: {  	_ =	swait.ge [sflag:s29], $0x400  }
0xcc: {  	[sflag:s29] =	ssyncset.done $0x0  }
0xcd: {  	[sflag:s29] =	ssyncadd.s32 $0xFFFFFC00  }
0xce: {  	_ =	swait.ge [sflag:s29], $0x100  }
0xcf: {  	[sflag:s29] =	ssyncset.done $0x0  }
0xd0: {  	[sflag:s29] =	ssyncadd.s32 $0xFFFFFF00  }
0xd1: {  	v2 =	vld [tilespmem:$0x1C80];
	_ =	sdelay $0x1  }
0xd2: {  	v3 =	vld [tilespmem:$0x1C90];
	_ =	sdelay $0x1  }
0xd3: {  	v4 =	vld [tilespmem:$0x1CA0]  }
0xd4: {  	v2 =	vadd.f32 $0.0e+00, v2  }
0xd5: {  	v5 =	vld [tilespmem:$0x1CB0]  }
0xd6: {  	v2 =	vadd.f32 v3, v2  }
0xd7: {  	v3 =	vld [tilespmem:$0x1CC0]  }
0xd8: {  	v2 =	vadd.f32 v4, v2  }
0xd9: {  	v4 =	vld [tilespmem:$0x1CD0]  }
0xda: {  	v2 =	vadd.f32 v5, v2  }
0xdb: {  	v5 =	vld [tilespmem:$0x1CE0]  }
0xdc: {  	v2 =	vadd.f32 v3, v2  }
0xdd: {  	v3 =	vld [tilespmem:$0x1CF0]  }
0xde: {  	v2 =	vadd.f32 v4, v2  }
0xdf: {  	v4 =	vld [tilespmem:$0x1D00]  }
0xe0: {  	v2 =	vadd.f32 v5, v2  }
0xe1: {  	v5 =	vld [tilespmem:$0x1D10]  }
0xe2: {  	v2 =	vadd.f32 v3, v2  }
0xe3: {  	v3 =	vld [tilespmem:$0x1D20]  }
0xe4: {  	v2 =	vadd.f32 v4, v2  }
0xe5: {  	s6 =	simm.s32 $0x0;
	v4 =	vld [tilespmem:$0x1D30]  }
0xe6: {  	v6 =	vld [tilespmem:s6+$0x0];
	v2 =	vadd.f32 v5, v2  }
0xe7: {  	v5 =	vld [tilespmem:$0x1D40]  }
0xe8: {  	v2 =	vadd.f32 v3, v2  }
0xe9: {  	v3 =	vld [tilespmem:$0x1D50]  }
0xea: {  	v2 =	vadd.f32 v4, v2  }
0xeb: {  	s2 =	simm.s32 $0x10;
	v4 =	vld [tilespmem:$0x1D60]  }
0xec: {  	v10 =	vld [tilespmem:s2+$0x0];
	v2 =	vadd.f32 v5, v2  }
0xed: {  	v5 =	vld [tilespmem:$0x1D70]  }
0xee: {  	v7 =	vld.idx.msk [tilespmem:v6+s4+$0x0], $0xffff;
	v2 =	vadd.f32 v3, v2;
	_ =	sdelay $0x1  }
0xef: {  	v2 =	vadd.f32 v4, v2;
	_ =	sdelay $0x1  }
0xf0: {  	v2 =	vadd.f32 v5, v2  }
0xf1: {  	v3 =	vadd.f32 $9.999999970e-07, v7  }
0xf2: {  	(erf) = vrcp.f32 v2  }
0xf3: {  	v2 =	vld.idx.msk [tilespmem:v10+s4+$0x0], $0xffff;
	(erf) = vrcp.f32 v3  }
0xf4: {  	s7 =	simm.s32 $0x20  }
0xf5: {  	v9 =	vld [tilespmem:s7+$0x0]  }
0xf6: {  	v11 =	vld [tilespmem:s6+$0x400];
	_ =	sdelay $0x1  }
0xf7: {  	v5 =	vadd.f32 $9.999999970e-07, v2;
	_ =	sdelay $0x1  }
0xf8: {  	v4 =	vld [tilespmem:s6+$0x800];
	(erf) = vrcp.f32 v5  }
0xf9: {  	v7 =	vadd.f32 v11, v11;
	v3 =	vpop (erf)  }
0xfa: {  	v8 =	vld [tilespmem:s2+$0x400];
	v5 =	vpop (erf)  }
0xfb: {  	v12 =	vld.idx.msk [tilespmem:v9+s4+$0x0], $0xffff;
	v5 =	vmul.f32 v5, v7  }
0xfc: {  	s6 =	simm.s32 $0x30;
	v2 =	vld [tilespmem:$0x1B80]  }
0xfd: {  	v7 =	vld [tilespmem:s6+$0x0];
	v4 =	vmul.f32 v5, v4  }
0xfe: {  	v5 =	vld.idx.msk [tilespmem:v6+s5+$0x0], $0xffff  }
0xff: {  	v13 =	vld [tilespmem:s2+$0x800];
	v4 =	vmul.f32 $1.442695020e+00, v4  }
0x100: {  	v15 =	vadd.f32 v8, v8  }
0x101: {  	vm14 =	vlt.s32 v6, $0x64;
	v14 =	vld.idx.msk [tilespmem:v6+s31+$0x0], $0xffff;
	v12 =	vadd.f32 $9.999999970e-07, v12;
	v6 =	vpop (erf);
	(erf) = vpow2.f32 v4  }
0x102: {  	vm2 =	vlt.f32 v11, $2.000000030e-01;
	vm3 =	vge.f32 v11, v2;
	v15 =	vmul.f32 v6, v15  }
0x103: {  	s0 =	simm.s32 $0x40;
	vm2 =	vmand vm2, vm3;
	(erf) = vrcp.f32 v12;
	v5 =	vmul.f32 v5, v3  }
0x104: {  	vm2 =	vmand vm14, vm2;
	v6 =	vld [tilespmem:s0+$0x0];
	v13 =	vmul.f32 v15, v13  }
0x105: {  	vm3 =	vlt.f32 v11, v2;
	v16 =	vsel vm2, $0x3DCCCD53, v1;
	v12 =	vld.idx.msk [tilespmem:v7+s4+$0x0], $0xffff;
	v5 =	vadd.f32 $9.999999970e-07, v5  }
0x106: {  	v4 =	vld [tilespmem:s7+$0x400];
	v15 =	vsel vm3, $0x358637BD, v16;
	v13 =	vmul.f32 $1.442695020e+00, v13  }
0x107: {  	v14 =	vadd.f32 $9.999999970e-07, v14;
	v16 =	vld.idx.msk [tilespmem:v10+s5+$0x0], $0xffff;
	v5 =	vmul.f32 v5, v15;
	_ =	sdelay $0x1  }
0x108: {  	vm15 =	vge.f32 v8, v2;
	vm2 =	vlt.s32 v10, $0x64;
	v5 =	vmul.f32 v5, v14  }
0x109: {  	vm3 =	vlt.f32 v8, $2.000000030e-01;
	(erf) = vpow2.f32 v13;
	v15 =	vadd.f32 $9.999999970e-07, v12;
	v14 =	vld [tilespmem:s7+$0x800];
	v13 =	vpop (erf)  }
0x10a: {  	vm3 =	vmand vm3, vm15;
	v18 =	vadd.f32 v4, v4;
	v12 =	vld.idx.msk [tilespmem:v10+s31+$0x0], $0xffff;
	v10 =	vmul.f32 v13, v5  }
0x10b: {  	vm2 =	vmand vm2, vm3;
	v17 =	vmul.f32 v16, v3;
	v16 =	vld.idx.msk [tilespmem:v6+s4+$0x0], $0xffff;
	(erf) = vrcp.f32 v15;
	v13 =	vpop (erf)  }
0x10c: {  	s2 =	simm.s32 $0x50;
	s7 =	simm.s32 $0x180;
	v5 =	vld [tilespmem:s6+$0x400];
	v18 =	vmul.f32 v13, v18;
	v13 =	vmovc v9;
	v15 =	vmul.f32 v10, v11;
	v10 =	vimm.f32 $0.0e+00;
	v11 =	vmovc v7  }
.LBB2_2:
0x10d: {  	v19 =	vmov v7;
	v7 =	vmov v6  }
0x10e: {  	p2 =	sne.s32 s7, $0xFC0;
	vm3 =	vlt.f32 v8, v2;
	v20 =	vsel vm2, $0x3DCCCD53, v1;
	v17 =	vadd.f32 $9.999999970e-07, v17;
	v21 =	vmovc v6;
	v22 =	vmovc v8;
	v6 =	vld [tilespmem:s2+$0x0]  }
0x10f: {  	v14 =	vmul.f32 v18, v14;
	v18 =	vsel vm3, $0x358637BD, v20;
	v10 =	vadd.f32 v15, v10;
	v23 =	vld.idx.msk [tilespmem:v9+s5+$0x0], $0xffff;
	v9 =	vmovc v19  }
0x110: {  	v8 =	vmov v4;
	v12 =	vadd.f32 $9.999999970e-07, v12;
	v15 =	vmul.f32 v17, v18  }
0x111: {  	v17 =	vmul.f32 $1.442695020e+00, v14;
	v4 =	vmov v5  }
.Ltmp0:
0x112: {  	vm2 =	vlt.s32 v13, $0x64;
	v15 =	vmul.f32 v15, v12;
	v14 =	vld [tilespmem:s6+$0x800];
	s6 =	smov.u32 s0;
	s0 =	smov.u32 s2;
	(pc) =	sbr.rel @p2 .LBB2_2-.Ltmp0, $4  }
0x113: {  	vm3 =	vlt.f32 v8, $2.000000030e-01;
	v16 =	vadd.f32 $9.999999970e-07, v16;
	v12 =	vld.idx.msk [tilespmem:v13+s31+$0x0], $0xffff;
	(erf) = vpow2.f32 v17;
	v13 =	vpop (erf)  }
0x114: {  	vm4 =	vge.f32 v8, v2;
	v18 =	vadd.f32 v5, v4;
	v15 =	vmul.f32 v13, v15;
	v13 =	vmovc v11  }
0x115: {  	vm3 =	vmand vm3, vm4;
	v17 =	vmul.f32 v23, v3;
	v5 =	vld [tilespmem:s6+$0x400];
	(erf) = vrcp.f32 v16;
	v11 =	vpop (erf)  }
0x116: {  	vm2 =	vmand vm2, vm3;
	s2 =	sshra.s32 s7, $0x2;
	s7 =	sadd.s32 $0x40, s7;
	v16 =	vld.idx.msk [tilespmem:v6+s4+$0x0], $0xffff;
	v18 =	vmul.f32 v11, v18;
	v15 =	vmul.f32 v15, v22;
	v11 =	vmovc v21  }
0x117: {  	v19 =	vld [tilespmem:s2+$0x0];
	_ =	sdelay $0x4  }
0x118: {  	v20 =	vld [tilespmem:s6+$0x800]  }
0x119: {  	v22 =	vadd.f32 v5, v5;
	v21 =	vpop (erf)  }
0x11a: {  	v30 =	vpop (erf)  }
0x11b: {  	v14 =	vmul.f32 v18, v14;
	v18 =	vmul.f32 v30, v22;
	v31 =	vld.idx.msk [tilespmem:v19+s4+$0x0], $0xffff  }
0x11c: {  	vm3 =	vlt.f32 v8, v2  }
0x11d: {  	v23 =	vsel vm2, $0x3DCCCD53, v1;
	v9 =	vld.idx.msk [tilespmem:v9+s5+$0x0], $0xffff;
	v14 =	vmul.f32 $1.442695020e+00, v14;
	v18 =	vmul.f32 v18, v20  }
0x11e: {  	v17 =	vadd.f32 $9.999999970e-07, v17;
	vm2 =	vlt.s32 v13, $0x64;
	v35 =	vld.idx.msk [tilespmem:v13+s31+$0x0], $0xffff;
	v16 =	vadd.f32 $9.999999970e-07, v16  }
0x11f: {  	vm4 =	vge.f32 v4, v2;
	v36 =	vld [tilespmem:s0+$0x400];
	(erf) = vpow2.f32 v14;
	v33 =	vmul.f32 $1.442695020e+00, v18  }
0x120: {  	v7 =	vld.idx.msk [tilespmem:v7+s5+$0x0], $0xffff;
	v32 =	vsel vm3, $0x358637BD, v23;
	(erf) = vrcp.f32 v16;
	v34 =	vadd.f32 $9.999999970e-07, v31  }
0x121: {  	v38 =	vld [tilespmem:s2+$0x400];
	v12 =	vadd.f32 $9.999999970e-07, v12;
	vm3 =	vlt.f32 v4, $2.000000030e-01;
	(erf) = vpow2.f32 v33  }
0x122: {  	v43 =	vld.idx.msk [tilespmem:v11+s31+$0x0], $0xffff;
	v17 =	vmul.f32 v17, v32;
	vm3 =	vmand vm3, vm4;
	(erf) = vrcp.f32 v34  }
0x123: {  	v49 =	vld.idx.msk [tilespmem:v6+s5+$0x0], $0xffff;
	v10 =	vadd.f32 v15, v10;
	vm2 =	vmand vm2, vm3  }
0x124: {  	vm3 =	vlt.f32 v4, v2;
	vm13 =	vge.f32 v5, v2;
	v12 =	vmul.f32 v17, v12  }
0x125: {  	v37 =	vsel vm2, $0x3DCCCD53, v1;
	vm2 =	vlt.s32 v11, $0x64;
	v9 =	vmul.f32 v9, v3  }
0x126: {  	v13 =	vadd.f32 $9.999999970e-07, v35;
	v42 =	vadd.f32 v36, v36;
	v7 =	vmul.f32 v7, v3  }
0x127: {  	v39 =	vld [tilespmem:s0+$0x800];
	v47 =	vadd.f32 v38, v38;
	v11 =	vadd.f32 $9.999999970e-07, v43;
	vm14 =	vge.f32 v36, v2  }
0x128: {  	v56 =	vmul.f32 v49, v3;
	v12 =	vmul.f32 v21, v12;
	v9 =	vadd.f32 $9.999999970e-07, v9;
	v40 =	vpop (erf)  }
0x129: {  	v45 =	vld [tilespmem:s2+$0x800];
	v16 =	vsel vm3, $0x358637BD, v37;
	vm3 =	vlt.f32 v5, $2.000000030e-01;
	v7 =	vadd.f32 $9.999999970e-07, v7;
	v44 =	vpop (erf)  }
0x12a: {  	v41 =	vmul.f32 v12, v8;
	vm3 =	vmand vm3, vm13;
	v12 =	vmul.f32 v44, v42;
	v46 =	vpop (erf)  }
0x12b: {  	v9 =	vmul.f32 v9, v16;
	vm2 =	vmand vm2, vm3;
	vm3 =	vlt.f32 v5, v2;
	v50 =	vpop (erf)  }
0x12c: {  	v48 =	vsel vm2, $0x3DCCCD53, v1;
	v12 =	vmul.f32 v12, v39;
	v15 =	vmul.f32 v50, v47  }
0x12d: {  	vm2 =	vlt.s32 v6, $0x64;
	v51 =	vsel vm3, $0x358637BD, v48;
	vm3 =	vlt.f32 v36, $2.000000030e-01  }
0x12e: {  	v54 =	vld.idx.msk [tilespmem:v19+s5+$0x0], $0xffff;
	vm3 =	vmand vm3, vm14;
	v52 =	vmul.f32 $1.442695020e+00, v12;
	v53 =	vmul.f32 v15, v45  }
0x12f: {  	v9 =	vmul.f32 v9, v13;
	v7 =	vmul.f32 v7, v51;
	vm2 =	vmand vm2, vm3  }
0x130: {  	vm3 =	vlt.f32 v36, v2;
	(erf) = vpow2.f32 v52;
	v12 =	vmul.f32 $1.442695020e+00, v53  }
0x131: {  	v55 =	vld.idx.msk [tilespmem:v6+s31+$0x0], $0xffff;
	v7 =	vmul.f32 v7, v11;
	v57 =	vsel vm2, $0x3DCCCD53, v1;
	vm2 =	vlt.f32 v38, $2.000000030e-01  }
0x132: {  	v58 =	vld.idx.msk [tilespmem:v19+s31+$0x0], $0xffff;
	v11 =	vsel vm3, $0x358637BD, v57;
	vm3 =	vge.f32 v38, v2;
	(erf) = vpow2.f32 v12  }
0x133: {  	vm15 =	vlt.s32 v19, $0x64;
	v3 =	vmul.f32 v54, v3;
	vm2 =	vmand vm2, vm3  }
0x134: {  	v13 =	vadd.f32 $9.999999970e-07, v56;
	v9 =	vmul.f32 v40, v9;
	vm2 =	vmand vm15, vm2  }
0x135: {  	v3 =	vadd.f32 $9.999999970e-07, v3;
	vm3 =	vlt.f32 v38, v2;
	v2 =	vsel vm2, $0x3DCCCD53, v1  }
0x136: {  	v6 =	vadd.f32 $9.999999970e-07, v55;
	v59 =	vmul.f32 v13, v11;
	v2 =	vsel vm3, $0x358637BD, v2  }
0x137: {  	v60 =	vmul.f32 v9, v4;
	v2 =	vmul.f32 v3, v2;
	v3 =	vadd.f32 $9.999999970e-07, v58  }
0x138: {  	v8 =	vadd.f32 v41, v10;
	v6 =	vmul.f32 v59, v6;
	v7 =	vmul.f32 v46, v7  }
0x139: {  	v2 =	vmul.f32 v2, v3;
	v62 =	vpop (erf)  }
0x13a: {  	v4 =	vadd.f32 v60, v8;
	v61 =	vmul.f32 v7, v5;
	v6 =	vmul.f32 v62, v6  }
0x13b: {  	v3 =	vpop (erf)  }
0x13c: {  	v4 =	vadd.f32 v61, v4;
	v63 =	vmul.f32 v6, v36;
	v2 =	vmul.f32 v3, v2;
	_ =	sdelay $0x1  }
0x13d: {  	v3 =	vadd.f32 v63, v4;
	v2 =	vmul.f32 v2, v38;
	_ =	sdelay $0x1  }
0x13e: {  	v2 =	vadd.f32 v2, v3;
	_ =	sdelay $0x1  }
0x13f: {  	[tilespmem:$0x1C00] =	vst v2  }
0x140: {  	[spmem:s26] =	stream.linear.scatter [tilespmem:s3], [sflag:$0x2], $0x10, $0x38;
	[tilespmem:$0x1FA0] =	vst v63  }
0x141: {  	_ =	swait.ge [sflag:s1], $0x10  }
0x142: {  	[sflag:s1] =	ssyncset.done $0x0  }
0x143: {  	[sflag:s1] =	ssyncadd.s32 $0xFFFFFFF0  }
0x144: {  	[bflag:$0x0] =	sbarrier.arrive $0xFFFF  }
0x145: {  	s0 =	simm.s32 @!p0 $0x1D80;
	s2 =	rddreg [dreg:$0x9]  }
0x146: {  	[tilespmem:s0], [sflag:$0x2] =	stream.linear.gather @!p0 [spmem:s2], $0x100, $0x38;
	[tilespmem:$0x1FA0] =	vst v63  }
0x147: {  	s0 =	simm.s32 @!p0 $0x2  }
0x148: {  	_ =	swait.ge @!p0 [sflag:s0], $0x100  }
0x149: {  	[sflag:s0] =	ssyncset.done @!p0 $0x0  }
0x14a: {  	[sflag:s0] =	ssyncadd.s32 @!p0 $0xFFFFFF00  }
0x14b: {  	v2 =	vld @!p0 [tilespmem:$0x1D80];
	_ =	sdelay $0x1  }
0x14c: {  	v3 =	vld @!p0 [tilespmem:$0x1D90];
	_ =	sdelay $0x1  }
0x14d: {  	v4 =	vld @!p0 [tilespmem:$0x1DA0]  }
0x14e: {  	v2 =	vadd.f32 @!p0 $0.0e+00, v2  }
0x14f: {  	v5 =	vld @!p0 [tilespmem:$0x1DB0]  }
0x150: {  	v2 =	vadd.f32 @!p0 v3, v2  }
0x151: {  	v3 =	vld @!p0 [tilespmem:$0x1DC0]  }
0x152: {  	v2 =	vadd.f32 @!p0 v4, v2  }
0x153: {  	v4 =	vld @!p0 [tilespmem:$0x1DD0]  }
0x154: {  	v2 =	vadd.f32 @!p0 v5, v2  }
0x155: {  	v5 =	vld @!p0 [tilespmem:$0x1DE0]  }
0x156: {  	v2 =	vadd.f32 @!p0 v3, v2  }
0x157: {  	v3 =	vld @!p0 [tilespmem:$0x1DF0]  }
0x158: {  	v2 =	vadd.f32 @!p0 v4, v2  }
0x159: {  	v4 =	vld @!p0 [tilespmem:$0x1E00]  }
0x15a: {  	v2 =	vadd.f32 @!p0 v5, v2  }
0x15b: {  	v5 =	vld @!p0 [tilespmem:$0x1E10]  }
0x15c: {  	v2 =	vadd.f32 @!p0 v3, v2  }
0x15d: {  	v3 =	vld @!p0 [tilespmem:$0x1E20]  }
0x15e: {  	v2 =	vadd.f32 @!p0 v4, v2  }
0x15f: {  	v4 =	vld @!p0 [tilespmem:$0x1E30]  }
0x160: {  	v2 =	vadd.f32 @!p0 v5, v2  }
0x161: {  	v5 =	vld @!p0 [tilespmem:$0x1E40]  }
0x162: {  	v2 =	vadd.f32 @!p0 v3, v2  }
0x163: {  	v3 =	vld @!p0 [tilespmem:$0x1E50]  }
0x164: {  	v2 =	vadd.f32 @!p0 v4, v2  }
0x165: {  	v4 =	vld @!p0 [tilespmem:$0x1E60]  }
0x166: {  	v2 =	vadd.f32 @!p0 v5, v2  }
0x167: {  	v5 =	vld @!p0 [tilespmem:$0x1E70]  }
0x168: {  	v2 =	vadd.f32 @!p0 v3, v2;
	_ =	sdelay $0x1  }
0x169: {  	v2 =	vadd.f32 @!p0 v4, v2;
	_ =	sdelay $0x1  }
0x16a: {  	v2 =	vadd.f32 @!p0 v5, v2;
	_ =	sdelay $0x1  }
0x16b: {  	(xrf2) =	vadd.scan.msk.f32 @!p0 $0xffff, v2;
	_ =	sdelay $0x9  }
0x16c: {  	v2, _, _ =	vpop @!p0 (xrf2)  }
0x16d: {  	(v2sf) =	vpush @!p0 v2, $0xF;
	_ =	sdelay $0xe  }
0x16e: {  	s2 =	spop @!p0 (v2sf)  }
0x16f: {  	s2 =	smul.f32 @!p0 $6.103515630e-05, s2  }
0x170: {  	s30 =	sadd.s32 $0x1, s30  }
0x171: {  	s6 =	simm.s32 @!p0 $0x1E80;
	p2 =	sne.s32 s30, s28;
	v2 =	vmov @!p0 s2  }
.Ltmp1:
0x172: {  	s7 =	rddreg [dreg:$0x5];
	s2 =	simm.s32 @!p0 $0x0;
	[tilespmem:$0x1E80] =	vst @!p0 v2;
	(pc) =	sbr.rel @p2 .LBB2_1-.Ltmp1, $4  }
0x173: {  	[hbm4b:s7+s2] =	stream.linear.scatter @!p0 [tilespmem:s6], [sflag:$0x2], $0x80, $0x38;
	[tilespmem:$0x1FA0] =	vst v63  }
0x174: {  	_ =	swait.ge @!p0 [sflag:s0], $0x80  }
0x175: {  	[sflag:s0] =	ssyncset.done @!p0 $0x0  }
0x176: {  	[sflag:s0] =	ssyncadd.s32 @!p0 $0xFFFFFF80  }
0x177: {  	_ =	sfence.sel $0x180000  }
0x178: {  	[bflag:$0x0] =	sbarrier.arrive $0xFFFF  }
0x179: {  	_ =	strace $0x90000047  }
0x17a: {  	s0 =	stileid.u32;
	[bflag:$0x2] =	sbarrier.arrive $0xFFFF  }
0x17b: {  	p0 =	sne.s32 s0, $0x0;
	s0 =	rddreg [dreg:$0xa]  }
0x17c: {  	s0 =	sadd.s32 @!p0 $0x100000, s0  }
0x17d: {  	[sflag:s0] =	ssyncadd.tile.s32 @!p0 $0x1;
	_ =	shalt  }
.Lfunc_end2:
_tile_overlayer_lowered:
.L_overlay_start_2:
0x17e: {  	(tag) =	ssettag $0x2  }
0x17f: {  	s0 =	rddreg [dreg:$0x0];
	s2 =	stileid.u32  }
0x180: {  	s1 =	rddreg [dreg:$0x1];
	p0 =	sne.s32 s2, $0x0  }
0x181: {  	s3 =	rddreg [dreg:$0x2];
	[bflag:$0x3] =	sbarrier.arrive $0xFFFF;
	s2 =	simm.s32 @!p0 $0x1C02  }
0x182: {  	[timem:s3], [sflag:s2] =	dma.local @!p0 [hbm:s0], s1  }
0x183: {  	s0 =	simm.s32 @!p0 $0x2  }
0x184: {  	_ =	swait.ge @!p0 [sflag:s0], s1  }
0x185: {  	s1 =	ssub.s32 @!p0 $0x0, s1;
	[sflag:s0] =	ssyncset.done @!p0 $0x0  }
0x186: {  	[sflag:s0] =	ssyncadd.s32 @!p0 s1  }
0x187: {  	[bflag:$0x3] =	sbarrier.arrive $0xFFFF  }
0x188: {  	_ =	shalt  }

</sc_bundles>
